<compile_context>
chip_gen: v7x
topology: tpu7x:2x2x1
jax: 0.10.2.dev20260603
libtpu: 0.0.44.dev20260713+nightly
codegen_flags: <defaults>
</compile_context>

<pallas_src>
import functools

import jax
import jax.numpy as jnp
from jax import lax
from jax.experimental import pallas as pl
from jax.experimental.pallas import tpu as pltpu
from jax.experimental.pallas import tpu_sc as plsc

_L = 16
_NC = 1
_NS = 16


@functools.lru_cache(maxsize=None)
def _make_sc_loss(n_rows: int, n_items: int):
    nw = _NC * _NS
    rows_per_w = n_rows // nw
    groups = rows_per_w // _L
    chunk = rows_per_w * n_items
    assert rows_per_w * nw == n_rows and groups * _L == rows_per_w

    mesh = plsc.VectorSubcoreMesh(
        core_axis_name="c", subcore_axis_name="s", num_cores=_NC)

    @functools.partial(
        pl.kernel,
        out_type=jax.ShapeDtypeStruct((nw, _L), jnp.float32),
        mesh=mesh,
        compiler_params=pltpu.CompilerParams(needs_layout_passes=False),
        scratch_types=[
            pltpu.VMEM((chunk,), jnp.float32),
            pltpu.VMEM((rows_per_w,), jnp.float32),
            pltpu.VMEM((rows_per_w,), jnp.int32),
            pltpu.VMEM((_L,), jnp.float32),
            pltpu.SemaphoreType.DMA,
        ],
    )
    def ordinal_loss_sc(preds_hbm, thr_hbm, tgt_hbm, out_hbm,
                        preds_v, thr_v, tgt_v, stage_v, sem):
        cid = lax.axis_index("c")
        sid = lax.axis_index("s")
        wid = sid * _NC + cid
        base = wid * rows_per_w
        h1 = pltpu.async_copy(
            preds_hbm.at[pl.ds(base * n_items, chunk)], preds_v, sem)
        h2 = pltpu.async_copy(thr_hbm.at[pl.ds(base, rows_per_w)], thr_v, sem)
        h3 = pltpu.async_copy(tgt_hbm.at[pl.ds(base, rows_per_w)], tgt_v, sem)
        h1.wait()
        h2.wait()
        h3.wait()

        lane = jnp.arange(_L, dtype=jnp.int32) * n_items
        acc = jnp.zeros((_L,), jnp.float32)
        for g in range(groups):
            thr = thr_v[pl.ds(g * _L, _L)]
            tgt = tgt_v[pl.ds(g * _L, _L)]
            m_off = jnp.where(thr <= 0.0, -1.0, 1.0)
            goff = g * _L * n_items
            for i in range(n_items):
                p = plsc.load_gather(preds_v, [lane + (goff + i)])
                m = jnp.where(tgt == i, -1.0, m_off)
                acc = acc + jnp.maximum((p - thr) * m, 0.0)

        stage_v[...] = acc
        pltpu.sync_copy(stage_v, out_hbm.at[wid])

    return ordinal_loss_sc


def kernel(predictions, tresholds, target):
    b, s, n_items = predictions.shape
    n_rows = b * s
    preds = predictions.reshape(-1)
    thr = tresholds.reshape(-1)
    tgt = target.reshape(-1).astype(jnp.int32)
    out = _make_sc_loss(n_rows, n_items)(preds, thr, tgt)
    return jnp.sum(out) / jnp.float32(n_items)

# --- scband reference (transcript-rebuilt; emitter-appended) ---
"""Pipeline reference for scband-ordinal-loss-89678917141342 (READ-ONLY COPY).

The authoritative reference and input builder live on the scoring server;
editing this copy changes nothing except your own understanding.
"""

import jax, jax.numpy as jnp
import numpy as np

N_ITEMS = 5


def setup_inputs(seed: int = 0) -> dict:
    key = jax.random.key(seed)
    k1, k2, k3 = jax.random.split(key, 3)
    predictions = jax.random.normal(k1, (128, 16, 5), dtype=jnp.float32)
    tresholds = jax.random.uniform(k2, (128, 16, 1), dtype=jnp.float32)
    target = jax.random.randint(k3, (128, 16, 1), 0, 5)
    return {"predictions": predictions, "tresholds": tresholds, "target": target}


def reference(predictions, tresholds, target):
    B, S, I = predictions.shape
    W = tresholds.shape[-1]
    # tresholds.view(-1, W).transpose(0,1).unsqueeze(-1).repeat(1,1,I)
    tres = tresholds.reshape(-1, W).T[:, :, None]
    tres = jnp.tile(tres, (1, 1, I))  # [W, N, I]
    # make_rank_target
    t = tres.reshape(W, B, -1, I)  # [W, B, S, I]
    y = jnp.zeros_like(predictions)
    idx0 = jnp.repeat(jnp.arange(B), S)
    idx1 = jnp.tile(jnp.arange(S), B)
    for i in range(target.shape[-1]):
        idx2 = target[:, :, i].reshape(-1)
        idxt = jnp.full_like(idx0, i)
        y = y.at[idx0, idx1, idx2].set(t[idxt, idx0, idx1, idx2])
    preds = predictions.reshape(-1, I)
    y2 = y.reshape(-1, N_ITEMS)
    # get_masks
    m = tres - jnp.tile(y2[None, :, :], (y2.shape[0], 1, 1))  # [N, N, I] via broadcast with [W=1, N, I]
    m = jnp.where(m <= 0, -1.0, 1.0)
    m = jax.lax.stop_gradient(m)
    arg = tres - jnp.tile(preds[None, :, :], (tres.shape[0], 1, 1))  # [W, N, I]
    arg = arg * m  # [N, N, I]
    return jax.nn.relu(-1.0 * arg).sum(axis=0).mean()

if __name__ == "__main__":
    import jax
    _d = setup_inputs()
    print(jax.jit(kernel)(*tuple(_d.values())))

</pallas_src>

<mosaic_0001>
#map = affine_map<(d0, d1) -> (0)>
#map1 = affine_map<(d0, d1) -> (0, 0)>
module attributes {stable_mosaic.version = 14 : i64} {
  func.func @ordinal_loss_sc(%arg0: i32, %arg1: i32, %arg2: memref<10240xf32, #tpu.memory_space<hbm>>, %arg3: memref<2048xf32, #tpu.memory_space<hbm>>, %arg4: memref<2048xi32, #tpu.memory_space<hbm>>, %arg5: memref<16x16xf32, #tpu.memory_space<hbm>>, %arg6: memref<640xf32, #tpu.memory_space<vmem>>, %arg7: memref<128xf32, #tpu.memory_space<vmem>>, %arg8: memref<128xi32, #tpu.memory_space<vmem>>, %arg9: memref<16xf32, #tpu.memory_space<vmem>>, %arg10: memref<!tpu.dma_semaphore, #tpu.memory_space<semaphore_mem>>) attributes {dimension_semantics = [#tpu.dimension_semantics<core_parallel>, #tpu.dimension_semantics<subcore_parallel>], iteration_bounds = array<i64: 1, 16>, scalar_prefetch = 0 : i64, scratch_operands = 5 : i64, tpu.core_type = #tpu.core_type<sc_vector_subcore>, window_params = [{transform_indices = #map}, {transform_indices = #map}, {transform_indices = #map}, {transform_indices = #map1}]} {
    %mul3A = arith.constant 1 : i32
    %mul3A_0 = arith.muli %arg1, %mul3A : i32
    %add3A = arith.addi %mul3A_0, %arg0 : i32
    %mul3A_1 = arith.constant 128 : i32
    %mul3A_2 = arith.muli %add3A, %mul3A_1 : i32
    %mul3A_3 = arith.constant 5 : i32
    %mul3A_4 = arith.muli %mul3A_2, %mul3A_3 : i32
    %dma_start3A = tpu.memref_slice %arg2[%mul3A_4] : memref<10240xf32, #tpu.memory_space<hbm>> -> memref<640xf32, #tpu.memory_space<hbm>>
    %dma_start3A_5 = tpu.memref_slice %arg2[%mul3A_4] : memref<10240xf32, #tpu.memory_space<hbm>> -> memref<640xf32, #tpu.memory_space<hbm>>
    tpu.enqueue_dma source(%dma_start3A_5 : memref<640xf32, #tpu.memory_space<hbm>>) target(%arg6 : memref<640xf32, #tpu.memory_space<vmem>>) target_semaphore(%arg10 : memref<!tpu.dma_semaphore, #tpu.memory_space<semaphore_mem>>)
    %dma_start3A_6 = tpu.memref_slice %arg3[%mul3A_2] : memref<2048xf32, #tpu.memory_space<hbm>> -> memref<128xf32, #tpu.memory_space<hbm>>
    %dma_start3A_7 = tpu.memref_slice %arg3[%mul3A_2] : memref<2048xf32, #tpu.memory_space<hbm>> -> memref<128xf32, #tpu.memory_space<hbm>>
    tpu.enqueue_dma source(%dma_start3A_7 : memref<128xf32, #tpu.memory_space<hbm>>) target(%arg7 : memref<128xf32, #tpu.memory_space<vmem>>) target_semaphore(%arg10 : memref<!tpu.dma_semaphore, #tpu.memory_space<semaphore_mem>>)
    %dma_start3A_8 = tpu.memref_slice %arg4[%mul3A_2] : memref<2048xi32, #tpu.memory_space<hbm>> -> memref<128xi32, #tpu.memory_space<hbm>>
    %dma_start3A_9 = tpu.memref_slice %arg4[%mul3A_2] : memref<2048xi32, #tpu.memory_space<hbm>> -> memref<128xi32, #tpu.memory_space<hbm>>
    tpu.enqueue_dma source(%dma_start3A_9 : memref<128xi32, #tpu.memory_space<hbm>>) target(%arg8 : memref<128xi32, #tpu.memory_space<vmem>>) target_semaphore(%arg10 : memref<!tpu.dma_semaphore, #tpu.memory_space<semaphore_mem>>)
    %dma_wait3A = tpu.memref_slice %arg2[%mul3A_4] : memref<10240xf32, #tpu.memory_space<hbm>> -> memref<640xf32, #tpu.memory_space<hbm>>
    %dma_wait3A_10 = tpu.memref_slice %arg2[%mul3A_4] : memref<10240xf32, #tpu.memory_space<hbm>> -> memref<640xf32, #tpu.memory_space<hbm>>
    tpu.wait_dma2 semaphore(%arg10 : memref<!tpu.dma_semaphore, #tpu.memory_space<semaphore_mem>>) src(%dma_wait3A_10 : memref<640xf32, #tpu.memory_space<hbm>>) dst(%arg6 : memref<640xf32, #tpu.memory_space<vmem>>)
    %dma_wait3A_11 = tpu.memref_slice %arg3[%mul3A_2] : memref<2048xf32, #tpu.memory_space<hbm>> -> memref<128xf32, #tpu.memory_space<hbm>>
    %dma_wait3A_12 = tpu.memref_slice %arg3[%mul3A_2] : memref<2048xf32, #tpu.memory_space<hbm>> -> memref<128xf32, #tpu.memory_space<hbm>>
    tpu.wait_dma2 semaphore(%arg10 : memref<!tpu.dma_semaphore, #tpu.memory_space<semaphore_mem>>) src(%dma_wait3A_12 : memref<128xf32, #tpu.memory_space<hbm>>) dst(%arg7 : memref<128xf32, #tpu.memory_space<vmem>>)
    %dma_wait3A_13 = tpu.memref_slice %arg4[%mul3A_2] : memref<2048xi32, #tpu.memory_space<hbm>> -> memref<128xi32, #tpu.memory_space<hbm>>
    %dma_wait3A_14 = tpu.memref_slice %arg4[%mul3A_2] : memref<2048xi32, #tpu.memory_space<hbm>> -> memref<128xi32, #tpu.memory_space<hbm>>
    tpu.wait_dma2 semaphore(%arg10 : memref<!tpu.dma_semaphore, #tpu.memory_space<semaphore_mem>>) src(%dma_wait3A_14 : memref<128xi32, #tpu.memory_space<hbm>>) dst(%arg8 : memref<128xi32, #tpu.memory_space<vmem>>)
    %iota3A = tpu.iota {dimensions = array<i32: 0>} : vector<16xi32>
    %mul3A_15 = arith.constant 5 : i32
    %mul3A_16 = vector.broadcast %mul3A_15 : i32 to vector<16xi32>
    %mul3A_17 = arith.muli %iota3A, %mul3A_16 : vector<16xi32>
    %broadcast_in_dim3A = arith.constant 0.000000e+00 : f32
    %broadcast_in_dim3A_18 = vector.broadcast %broadcast_in_dim3A : f32 to vector<16xf32>
    %get3A = arith.constant 0 : index
    %get3A_19 = tpu.vector_load %arg7[%get3A] {strides = array<i32>} : memref<128xf32, #tpu.memory_space<vmem>>, vector<16xf32>,
    %get3A_20 = arith.constant 0 : index
    %get3A_21 = tpu.vector_load %arg8[%get3A_20] {strides = array<i32>} : memref<128xi32, #tpu.memory_space<vmem>>, vector<16xi32>,
    %le3A = arith.constant 0.000000e+00 : f32
    %le3A_22 = vector.broadcast %le3A : f32 to vector<16xf32>
    %le3A_23 = arith.cmpf ole, %get3A_19, %le3A_22 : vector<16xf32>
    %jit3A = arith.constant -1.000000e+00 : f32
    %jit3A_24 = arith.constant 1.000000e+00 : f32
    %broadcast_in_dim3A_25 = vector.broadcast %jit3A : f32 to vector<16xf32>
    %broadcast_in_dim3A_26 = vector.broadcast %jit3A_24 : f32 to vector<16xf32>
    %select_n3A = arith.select %le3A_23, %broadcast_in_dim3A_25, %broadcast_in_dim3A_26 : vector<16xi1>, vector<16xf32>
    %add3A_27 = arith.constant 0 : i32
    %add3A_28 = vector.broadcast %add3A_27 : i32 to vector<16xi32>
    %add3A_29 = arith.addi %mul3A_17, %add3A_28 : vector<16xi32>
    %gather3A = tpu.vector_load_idx %arg6[%add3A_29] : memref<640xf32, #tpu.memory_space<vmem>>[vector<16xi32>], vector<16xf32>,
    %eq3A = arith.constant 0 : i32
    %eq3A_30 = vector.broadcast %eq3A : i32 to vector<16xi32>
    %eq3A_31 = arith.cmpi eq, %get3A_21, %eq3A_30 : vector<16xi32>
    %jit3A_32 = arith.constant -1.000000e+00 : f32
    %broadcast_in_dim3A_33 = vector.broadcast %jit3A_32 : f32 to vector<16xf32>
    %select_n3A_34 = arith.select %eq3A_31, %broadcast_in_dim3A_33, %select_n3A : vector<16xi1>, vector<16xf32>
    %sub3A = arith.subf %gather3A, %get3A_19 : vector<16xf32>
    %mul3A_35 = arith.mulf %sub3A, %select_n3A_34 : vector<16xf32>
    %max3A = arith.constant 0.000000e+00 : f32
    %max3A_36 = vector.broadcast %max3A : f32 to vector<16xf32>
    %max3A_37 = arith.maximumf %mul3A_35, %max3A_36 : vector<16xf32>
    %add3A_38 = arith.addf %broadcast_in_dim3A_18, %max3A_37 : vector<16xf32>
    %add3A_39 = arith.constant 1 : i32
    %add3A_40 = vector.broadcast %add3A_39 : i32 to vector<16xi32>
    %add3A_41 = arith.addi %mul3A_17, %add3A_40 : vector<16xi32>
    %gather3A_42 = tpu.vector_load_idx %arg6[%add3A_41] : memref<640xf32, #tpu.memory_space<vmem>>[vector<16xi32>], vector<16xf32>,
    %eq3A_43 = arith.constant 1 : i32
    %eq3A_44 = vector.broadcast %eq3A_43 : i32 to vector<16xi32>
    %eq3A_45 = arith.cmpi eq, %get3A_21, %eq3A_44 : vector<16xi32>
    %jit3A_46 = arith.constant -1.000000e+00 : f32
    %broadcast_in_dim3A_47 = vector.broadcast %jit3A_46 : f32 to vector<16xf32>
    %select_n3A_48 = arith.select %eq3A_45, %broadcast_in_dim3A_47, %select_n3A : vector<16xi1>, vector<16xf32>
    %sub3A_49 = arith.subf %gather3A_42, %get3A_19 : vector<16xf32>
    %mul3A_50 = arith.mulf %sub3A_49, %select_n3A_48 : vector<16xf32>
    %max3A_51 = arith.constant 0.000000e+00 : f32
    %max3A_52 = vector.broadcast %max3A_51 : f32 to vector<16xf32>
    %max3A_53 = arith.maximumf %mul3A_50, %max3A_52 : vector<16xf32>
    %add3A_54 = arith.addf %add3A_38, %max3A_53 : vector<16xf32>
    %add3A_55 = arith.constant 2 : i32
    %add3A_56 = vector.broadcast %add3A_55 : i32 to vector<16xi32>
    %add3A_57 = arith.addi %mul3A_17, %add3A_56 : vector<16xi32>
    %gather3A_58 = tpu.vector_load_idx %arg6[%add3A_57] : memref<640xf32, #tpu.memory_space<vmem>>[vector<16xi32>], vector<16xf32>,
    %eq3A_59 = arith.constant 2 : i32
    %eq3A_60 = vector.broadcast %eq3A_59 : i32 to vector<16xi32>
    %eq3A_61 = arith.cmpi eq, %get3A_21, %eq3A_60 : vector<16xi32>
    %jit3A_62 = arith.constant -1.000000e+00 : f32
    %broadcast_in_dim3A_63 = vector.broadcast %jit3A_62 : f32 to vector<16xf32>
    %select_n3A_64 = arith.select %eq3A_61, %broadcast_in_dim3A_63, %select_n3A : vector<16xi1>, vector<16xf32>
    %sub3A_65 = arith.subf %gather3A_58, %get3A_19 : vector<16xf32>
    %mul3A_66 = arith.mulf %sub3A_65, %select_n3A_64 : vector<16xf32>
    %max3A_67 = arith.constant 0.000000e+00 : f32
    %max3A_68 = vector.broadcast %max3A_67 : f32 to vector<16xf32>
    %max3A_69 = arith.maximumf %mul3A_66, %max3A_68 : vector<16xf32>
    %add3A_70 = arith.addf %add3A_54, %max3A_69 : vector<16xf32>
    %add3A_71 = arith.constant 3 : i32
    %add3A_72 = vector.broadcast %add3A_71 : i32 to vector<16xi32>
    %add3A_73 = arith.addi %mul3A_17, %add3A_72 : vector<16xi32>
    %gather3A_74 = tpu.vector_load_idx %arg6[%add3A_73] : memref<640xf32, #tpu.memory_space<vmem>>[vector<16xi32>], vector<16xf32>,
    %eq3A_75 = arith.constant 3 : i32
    %eq3A_76 = vector.broadcast %eq3A_75 : i32 to vector<16xi32>
    %eq3A_77 = arith.cmpi eq, %get3A_21, %eq3A_76 : vector<16xi32>
    %jit3A_78 = arith.constant -1.000000e+00 : f32
    %broadcast_in_dim3A_79 = vector.broadcast %jit3A_78 : f32 to vector<16xf32>
    %select_n3A_80 = arith.select %eq3A_77, %broadcast_in_dim3A_79, %select_n3A : vector<16xi1>, vector<16xf32>
    %sub3A_81 = arith.subf %gather3A_74, %get3A_19 : vector<16xf32>
    %mul3A_82 = arith.mulf %sub3A_81, %select_n3A_80 : vector<16xf32>
    %max3A_83 = arith.constant 0.000000e+00 : f32
    %max3A_84 = vector.broadcast %max3A_83 : f32 to vector<16xf32>
    %max3A_85 = arith.maximumf %mul3A_82, %max3A_84 : vector<16xf32>
    %add3A_86 = arith.addf %add3A_70, %max3A_85 : vector<16xf32>
    %add3A_87 = arith.constant 4 : i32
    %add3A_88 = vector.broadcast %add3A_87 : i32 to vector<16xi32>
    %add3A_89 = arith.addi %mul3A_17, %add3A_88 : vector<16xi32>
    %gather3A_90 = tpu.vector_load_idx %arg6[%add3A_89] : memref<640xf32, #tpu.memory_space<vmem>>[vector<16xi32>], vector<16xf32>,
    %eq3A_91 = arith.constant 4 : i32
    %eq3A_92 = vector.broadcast %eq3A_91 : i32 to vector<16xi32>
    %eq3A_93 = arith.cmpi eq, %get3A_21, %eq3A_92 : vector<16xi32>
    %jit3A_94 = arith.constant -1.000000e+00 : f32
    %broadcast_in_dim3A_95 = vector.broadcast %jit3A_94 : f32 to vector<16xf32>
    %select_n3A_96 = arith.select %eq3A_93, %broadcast_in_dim3A_95, %select_n3A : vector<16xi1>, vector<16xf32>
    %sub3A_97 = arith.subf %gather3A_90, %get3A_19 : vector<16xf32>
    %mul3A_98 = arith.mulf %sub3A_97, %select_n3A_96 : vector<16xf32>
    %max3A_99 = arith.constant 0.000000e+00 : f32
    %max3A_100 = vector.broadcast %max3A_99 : f32 to vector<16xf32>
    %max3A_101 = arith.maximumf %mul3A_98, %max3A_100 : vector<16xf32>
    %add3A_102 = arith.addf %add3A_86, %max3A_101 : vector<16xf32>
    %get3A_103 = arith.constant 16 : index
    %get3A_104 = tpu.vector_load %arg7[%get3A_103] {strides = array<i32>} : memref<128xf32, #tpu.memory_space<vmem>>, vector<16xf32>,
    %get3A_105 = arith.constant 16 : index
    %get3A_106 = tpu.vector_load %arg8[%get3A_105] {strides = array<i32>} : memref<128xi32, #tpu.memory_space<vmem>>, vector<16xi32>,
    %le3A_107 = arith.constant 0.000000e+00 : f32
    %le3A_108 = vector.broadcast %le3A_107 : f32 to vector<16xf32>
    %le3A_109 = arith.cmpf ole, %get3A_104, %le3A_108 : vector<16xf32>
    %jit3A_110 = arith.constant -1.000000e+00 : f32
    %jit3A_111 = arith.constant 1.000000e+00 : f32
    %broadcast_in_dim3A_112 = vector.broadcast %jit3A_110 : f32 to vector<16xf32>
    %broadcast_in_dim3A_113 = vector.broadcast %jit3A_111 : f32 to vector<16xf32>
    %select_n3A_114 = arith.select %le3A_109, %broadcast_in_dim3A_112, %broadcast_in_dim3A_113 : vector<16xi1>, vector<16xf32>
    %add3A_115 = arith.constant 80 : i32
    %add3A_116 = vector.broadcast %add3A_115 : i32 to vector<16xi32>
    %add3A_117 = arith.addi %mul3A_17, %add3A_116 : vector<16xi32>
    %gather3A_118 = tpu.vector_load_idx %arg6[%add3A_117] : memref<640xf32, #tpu.memory_space<vmem>>[vector<16xi32>], vector<16xf32>,
    %eq3A_119 = arith.constant 0 : i32
    %eq3A_120 = vector.broadcast %eq3A_119 : i32 to vector<16xi32>
    %eq3A_121 = arith.cmpi eq, %get3A_106, %eq3A_120 : vector<16xi32>
    %jit3A_122 = arith.constant -1.000000e+00 : f32
    %broadcast_in_dim3A_123 = vector.broadcast %jit3A_122 : f32 to vector<16xf32>
    %select_n3A_124 = arith.select %eq3A_121, %broadcast_in_dim3A_123, %select_n3A_114 : vector<16xi1>, vector<16xf32>
    %sub3A_125 = arith.subf %gather3A_118, %get3A_104 : vector<16xf32>
    %mul3A_126 = arith.mulf %sub3A_125, %select_n3A_124 : vector<16xf32>
    %max3A_127 = arith.constant 0.000000e+00 : f32
    %max3A_128 = vector.broadcast %max3A_127 : f32 to vector<16xf32>
    %max3A_129 = arith.maximumf %mul3A_126, %max3A_128 : vector<16xf32>
    %add3A_130 = arith.addf %add3A_102, %max3A_129 : vector<16xf32>
    %add3A_131 = arith.constant 81 : i32
    %add3A_132 = vector.broadcast %add3A_131 : i32 to vector<16xi32>
    %add3A_133 = arith.addi %mul3A_17, %add3A_132 : vector<16xi32>
    %gather3A_134 = tpu.vector_load_idx %arg6[%add3A_133] : memref<640xf32, #tpu.memory_space<vmem>>[vector<16xi32>], vector<16xf32>,
    %eq3A_135 = arith.constant 1 : i32
    %eq3A_136 = vector.broadcast %eq3A_135 : i32 to vector<16xi32>
    %eq3A_137 = arith.cmpi eq, %get3A_106, %eq3A_136 : vector<16xi32>
    %jit3A_138 = arith.constant -1.000000e+00 : f32
    %broadcast_in_dim3A_139 = vector.broadcast %jit3A_138 : f32 to vector<16xf32>
    %select_n3A_140 = arith.select %eq3A_137, %broadcast_in_dim3A_139, %select_n3A_114 : vector<16xi1>, vector<16xf32>
    %sub3A_141 = arith.subf %gather3A_134, %get3A_104 : vector<16xf32>
    %mul3A_142 = arith.mulf %sub3A_141, %select_n3A_140 : vector<16xf32>
    %max3A_143 = arith.constant 0.000000e+00 : f32
    %max3A_144 = vector.broadcast %max3A_143 : f32 to vector<16xf32>
    %max3A_145 = arith.maximumf %mul3A_142, %max3A_144 : vector<16xf32>
    %add3A_146 = arith.addf %add3A_130, %max3A_145 : vector<16xf32>
    %add3A_147 = arith.constant 82 : i32
    %add3A_148 = vector.broadcast %add3A_147 : i32 to vector<16xi32>
    %add3A_149 = arith.addi %mul3A_17, %add3A_148 : vector<16xi32>
    %gather3A_150 = tpu.vector_load_idx %arg6[%add3A_149] : memref<640xf32, #tpu.memory_space<vmem>>[vector<16xi32>], vector<16xf32>,
    %eq3A_151 = arith.constant 2 : i32
    %eq3A_152 = vector.broadcast %eq3A_151 : i32 to vector<16xi32>
    %eq3A_153 = arith.cmpi eq, %get3A_106, %eq3A_152 : vector<16xi32>
    %jit3A_154 = arith.constant -1.000000e+00 : f32
    %broadcast_in_dim3A_155 = vector.broadcast %jit3A_154 : f32 to vector<16xf32>
    %select_n3A_156 = arith.select %eq3A_153, %broadcast_in_dim3A_155, %select_n3A_114 : vector<16xi1>, vector<16xf32>
    %sub3A_157 = arith.subf %gather3A_150, %get3A_104 : vector<16xf32>
    %mul3A_158 = arith.mulf %sub3A_157, %select_n3A_156 : vector<16xf32>
    %max3A_159 = arith.constant 0.000000e+00 : f32
    %max3A_160 = vector.broadcast %max3A_159 : f32 to vector<16xf32>
    %max3A_161 = arith.maximumf %mul3A_158, %max3A_160 : vector<16xf32>
    %add3A_162 = arith.addf %add3A_146, %max3A_161 : vector<16xf32>
    %add3A_163 = arith.constant 83 : i32
    %add3A_164 = vector.broadcast %add3A_163 : i32 to vector<16xi32>
    %add3A_165 = arith.addi %mul3A_17, %add3A_164 : vector<16xi32>
    %gather3A_166 = tpu.vector_load_idx %arg6[%add3A_165] : memref<640xf32, #tpu.memory_space<vmem>>[vector<16xi32>], vector<16xf32>,
    %eq3A_167 = arith.constant 3 : i32
    %eq3A_168 = vector.broadcast %eq3A_167 : i32 to vector<16xi32>
    %eq3A_169 = arith.cmpi eq, %get3A_106, %eq3A_168 : vector<16xi32>
    %jit3A_170 = arith.constant -1.000000e+00 : f32
    %broadcast_in_dim3A_171 = vector.broadcast %jit3A_170 : f32 to vector<16xf32>
    %select_n3A_172 = arith.select %eq3A_169, %broadcast_in_dim3A_171, %select_n3A_114 : vector<16xi1>, vector<16xf32>
    %sub3A_173 = arith.subf %gather3A_166, %get3A_104 : vector<16xf32>
    %mul3A_174 = arith.mulf %sub3A_173, %select_n3A_172 : vector<16xf32>
    %max3A_175 = arith.constant 0.000000e+00 : f32
    %max3A_176 = vector.broadcast %max3A_175 : f32 to vector<16xf32>
    %max3A_177 = arith.maximumf %mul3A_174, %max3A_176 : vector<16xf32>
    %add3A_178 = arith.addf %add3A_162, %max3A_177 : vector<16xf32>
    %add3A_179 = arith.constant 84 : i32
    %add3A_180 = vector.broadcast %add3A_179 : i32 to vector<16xi32>
    %add3A_181 = arith.addi %mul3A_17, %add3A_180 : vector<16xi32>
    %gather3A_182 = tpu.vector_load_idx %arg6[%add3A_181] : memref<640xf32, #tpu.memory_space<vmem>>[vector<16xi32>], vector<16xf32>,
    %eq3A_183 = arith.constant 4 : i32
    %eq3A_184 = vector.broadcast %eq3A_183 : i32 to vector<16xi32>
    %eq3A_185 = arith.cmpi eq, %get3A_106, %eq3A_184 : vector<16xi32>
    %jit3A_186 = arith.constant -1.000000e+00 : f32
    %broadcast_in_dim3A_187 = vector.broadcast %jit3A_186 : f32 to vector<16xf32>
    %select_n3A_188 = arith.select %eq3A_185, %broadcast_in_dim3A_187, %select_n3A_114 : vector<16xi1>, vector<16xf32>
    %sub3A_189 = arith.subf %gather3A_182, %get3A_104 : vector<16xf32>
    %mul3A_190 = arith.mulf %sub3A_189, %select_n3A_188 : vector<16xf32>
    %max3A_191 = arith.constant 0.000000e+00 : f32
    %max3A_192 = vector.broadcast %max3A_191 : f32 to vector<16xf32>
    %max3A_193 = arith.maximumf %mul3A_190, %max3A_192 : vector<16xf32>
    %add3A_194 = arith.addf %add3A_178, %max3A_193 : vector<16xf32>
    %get3A_195 = arith.constant 32 : index
    %get3A_196 = tpu.vector_load %arg7[%get3A_195] {strides = array<i32>} : memref<128xf32, #tpu.memory_space<vmem>>, vector<16xf32>,
    %get3A_197 = arith.constant 32 : index
    %get3A_198 = tpu.vector_load %arg8[%get3A_197] {strides = array<i32>} : memref<128xi32, #tpu.memory_space<vmem>>, vector<16xi32>,
    %le3A_199 = arith.constant 0.000000e+00 : f32
    %le3A_200 = vector.broadcast %le3A_199 : f32 to vector<16xf32>
    %le3A_201 = arith.cmpf ole, %get3A_196, %le3A_200 : vector<16xf32>
    %jit3A_202 = arith.constant -1.000000e+00 : f32
    %jit3A_203 = arith.constant 1.000000e+00 : f32
    %broadcast_in_dim3A_204 = vector.broadcast %jit3A_202 : f32 to vector<16xf32>
    %broadcast_in_dim3A_205 = vector.broadcast %jit3A_203 : f32 to vector<16xf32>
    %select_n3A_206 = arith.select %le3A_201, %broadcast_in_dim3A_204, %broadcast_in_dim3A_205 : vector<16xi1>, vector<16xf32>
    %add3A_207 = arith.constant 160 : i32
    %add3A_208 = vector.broadcast %add3A_207 : i32 to vector<16xi32>
    %add3A_209 = arith.addi %mul3A_17, %add3A_208 : vector<16xi32>
    %gather3A_210 = tpu.vector_load_idx %arg6[%add3A_209] : memref<640xf32, #tpu.memory_space<vmem>>[vector<16xi32>], vector<16xf32>,
    %eq3A_211 = arith.constant 0 : i32
    %eq3A_212 = vector.broadcast %eq3A_211 : i32 to vector<16xi32>
    %eq3A_213 = arith.cmpi eq, %get3A_198, %eq3A_212 : vector<16xi32>
    %jit3A_214 = arith.constant -1.000000e+00 : f32
    %broadcast_in_dim3A_215 = vector.broadcast %jit3A_214 : f32 to vector<16xf32>
    %select_n3A_216 = arith.select %eq3A_213, %broadcast_in_dim3A_215, %select_n3A_206 : vector<16xi1>, vector<16xf32>
    %sub3A_217 = arith.subf %gather3A_210, %get3A_196 : vector<16xf32>
    %mul3A_218 = arith.mulf %sub3A_217, %select_n3A_216 : vector<16xf32>
    %max3A_219 = arith.constant 0.000000e+00 : f32
    %max3A_220 = vector.broadcast %max3A_219 : f32 to vector<16xf32>
    %max3A_221 = arith.maximumf %mul3A_218, %max3A_220 : vector<16xf32>
    %add3A_222 = arith.addf %add3A_194, %max3A_221 : vector<16xf32>
    %add3A_223 = arith.constant 161 : i32
    %add3A_224 = vector.broadcast %add3A_223 : i32 to vector<16xi32>
    %add3A_225 = arith.addi %mul3A_17, %add3A_224 : vector<16xi32>
    %gather3A_226 = tpu.vector_load_idx %arg6[%add3A_225] : memref<640xf32, #tpu.memory_space<vmem>>[vector<16xi32>], vector<16xf32>,
    %eq3A_227 = arith.constant 1 : i32
    %eq3A_228 = vector.broadcast %eq3A_227 : i32 to vector<16xi32>
    %eq3A_229 = arith.cmpi eq, %get3A_198, %eq3A_228 : vector<16xi32>
    %jit3A_230 = arith.constant -1.000000e+00 : f32
    %broadcast_in_dim3A_231 = vector.broadcast %jit3A_230 : f32 to vector<16xf32>
    %select_n3A_232 = arith.select %eq3A_229, %broadcast_in_dim3A_231, %select_n3A_206 : vector<16xi1>, vector<16xf32>
    %sub3A_233 = arith.subf %gather3A_226, %get3A_196 : vector<16xf32>
    %mul3A_234 = arith.mulf %sub3A_233, %select_n3A_232 : vector<16xf32>
    %max3A_235 = arith.constant 0.000000e+00 : f32
    %max3A_236 = vector.broadcast %max3A_235 : f32 to vector<16xf32>
    %max3A_237 = arith.maximumf %mul3A_234, %max3A_236 : vector<16xf32>
    %add3A_238 = arith.addf %add3A_222, %max3A_237 : vector<16xf32>
    %add3A_239 = arith.constant 162 : i32
    %add3A_240 = vector.broadcast %add3A_239 : i32 to vector<16xi32>
    %add3A_241 = arith.addi %mul3A_17, %add3A_240 : vector<16xi32>
    %gather3A_242 = tpu.vector_load_idx %arg6[%add3A_241] : memref<640xf32, #tpu.memory_space<vmem>>[vector<16xi32>], vector<16xf32>,
    %eq3A_243 = arith.constant 2 : i32
    %eq3A_244 = vector.broadcast %eq3A_243 : i32 to vector<16xi32>
    %eq3A_245 = arith.cmpi eq, %get3A_198, %eq3A_244 : vector<16xi32>
    %jit3A_246 = arith.constant -1.000000e+00 : f32
    %broadcast_in_dim3A_247 = vector.broadcast %jit3A_246 : f32 to vector<16xf32>
    %select_n3A_248 = arith.select %eq3A_245, %broadcast_in_dim3A_247, %select_n3A_206 : vector<16xi1>, vector<16xf32>
    %sub3A_249 = arith.subf %gather3A_242, %get3A_196 : vector<16xf32>
    %mul3A_250 = arith.mulf %sub3A_249, %select_n3A_248 : vector<16xf32>
    %max3A_251 = arith.constant 0.000000e+00 : f32
    %max3A_252 = vector.broadcast %max3A_251 : f32 to vector<16xf32>
    %max3A_253 = arith.maximumf %mul3A_250, %max3A_252 : vector<16xf32>
    %add3A_254 = arith.addf %add3A_238, %max3A_253 : vector<16xf32>
    %add3A_255 = arith.constant 163 : i32
    %add3A_256 = vector.broadcast %add3A_255 : i32 to vector<16xi32>
    %add3A_257 = arith.addi %mul3A_17, %add3A_256 : vector<16xi32>
    %gather3A_258 = tpu.vector_load_idx %arg6[%add3A_257] : memref<640xf32, #tpu.memory_space<vmem>>[vector<16xi32>], vector<16xf32>,
    %eq3A_259 = arith.constant 3 : i32
    %eq3A_260 = vector.broadcast %eq3A_259 : i32 to vector<16xi32>
    %eq3A_261 = arith.cmpi eq, %get3A_198, %eq3A_260 : vector<16xi32>
    %jit3A_262 = arith.constant -1.000000e+00 : f32
    %broadcast_in_dim3A_263 = vector.broadcast %jit3A_262 : f32 to vector<16xf32>
    %select_n3A_264 = arith.select %eq3A_261, %broadcast_in_dim3A_263, %select_n3A_206 : vector<16xi1>, vector<16xf32>
    %sub3A_265 = arith.subf %gather3A_258, %get3A_196 : vector<16xf32>
    %mul3A_266 = arith.mulf %sub3A_265, %select_n3A_264 : vector<16xf32>
    %max3A_267 = arith.constant 0.000000e+00 : f32
    %max3A_268 = vector.broadcast %max3A_267 : f32 to vector<16xf32>
    %max3A_269 = arith.maximumf %mul3A_266, %max3A_268 : vector<16xf32>
    %add3A_270 = arith.addf %add3A_254, %max3A_269 : vector<16xf32>
    %add3A_271 = arith.constant 164 : i32
    %add3A_272 = vector.broadcast %add3A_271 : i32 to vector<16xi32>
    %add3A_273 = arith.addi %mul3A_17, %add3A_272 : vector<16xi32>
    %gather3A_274 = tpu.vector_load_idx %arg6[%add3A_273] : memref<640xf32, #tpu.memory_space<vmem>>[vector<16xi32>], vector<16xf32>,
    %eq3A_275 = arith.constant 4 : i32
    %eq3A_276 = vector.broadcast %eq3A_275 : i32 to vector<16xi32>
    %eq3A_277 = arith.cmpi eq, %get3A_198, %eq3A_276 : vector<16xi32>
    %jit3A_278 = arith.constant -1.000000e+00 : f32
    %broadcast_in_dim3A_279 = vector.broadcast %jit3A_278 : f32 to vector<16xf32>
    %select_n3A_280 = arith.select %eq3A_277, %broadcast_in_dim3A_279, %select_n3A_206 : vector<16xi1>, vector<16xf32>
    %sub3A_281 = arith.subf %gather3A_274, %get3A_196 : vector<16xf32>
    %mul3A_282 = arith.mulf %sub3A_281, %select_n3A_280 : vector<16xf32>
    %max3A_283 = arith.constant 0.000000e+00 : f32
    %max3A_284 = vector.broadcast %max3A_283 : f32 to vector<16xf32>
    %max3A_285 = arith.maximumf %mul3A_282, %max3A_284 : vector<16xf32>
    %add3A_286 = arith.addf %add3A_270, %max3A_285 : vector<16xf32>
    %get3A_287 = arith.constant 48 : index
    %get3A_288 = tpu.vector_load %arg7[%get3A_287] {strides = array<i32>} : memref<128xf32, #tpu.memory_space<vmem>>, vector<16xf32>,
    %get3A_289 = arith.constant 48 : index
    %get3A_290 = tpu.vector_load %arg8[%get3A_289] {strides = array<i32>} : memref<128xi32, #tpu.memory_space<vmem>>, vector<16xi32>,
    %le3A_291 = arith.constant 0.000000e+00 : f32
    %le3A_292 = vector.broadcast %le3A_291 : f32 to vector<16xf32>
    %le3A_293 = arith.cmpf ole, %get3A_288, %le3A_292 : vector<16xf32>
    %jit3A_294 = arith.constant -1.000000e+00 : f32
    %jit3A_295 = arith.constant 1.000000e+00 : f32
    %broadcast_in_dim3A_296 = vector.broadcast %jit3A_294 : f32 to vector<16xf32>
    %broadcast_in_dim3A_297 = vector.broadcast %jit3A_295 : f32 to vector<16xf32>
    %select_n3A_298 = arith.select %le3A_293, %broadcast_in_dim3A_296, %broadcast_in_dim3A_297 : vector<16xi1>, vector<16xf32>
    %add3A_299 = arith.constant 240 : i32
    %add3A_300 = vector.broadcast %add3A_299 : i32 to vector<16xi32>
    %add3A_301 = arith.addi %mul3A_17, %add3A_300 : vector<16xi32>
    %gather3A_302 = tpu.vector_load_idx %arg6[%add3A_301] : memref<640xf32, #tpu.memory_space<vmem>>[vector<16xi32>], vector<16xf32>,
    %eq3A_303 = arith.constant 0 : i32
    %eq3A_304 = vector.broadcast %eq3A_303 : i32 to vector<16xi32>
    %eq3A_305 = arith.cmpi eq, %get3A_290, %eq3A_304 : vector<16xi32>
    %jit3A_306 = arith.constant -1.000000e+00 : f32
    %broadcast_in_dim3A_307 = vector.broadcast %jit3A_306 : f32 to vector<16xf32>
    %select_n3A_308 = arith.select %eq3A_305, %broadcast_in_dim3A_307, %select_n3A_298 : vector<16xi1>, vector<16xf32>
    %sub3A_309 = arith.subf %gather3A_302, %get3A_288 : vector<16xf32>
    %mul3A_310 = arith.mulf %sub3A_309, %select_n3A_308 : vector<16xf32>
    %max3A_311 = arith.constant 0.000000e+00 : f32
    %max3A_312 = vector.broadcast %max3A_311 : f32 to vector<16xf32>
    %max3A_313 = arith.maximumf %mul3A_310, %max3A_312 : vector<16xf32>
    %add3A_314 = arith.addf %add3A_286, %max3A_313 : vector<16xf32>
    %add3A_315 = arith.constant 241 : i32
    %add3A_316 = vector.broadcast %add3A_315 : i32 to vector<16xi32>
    %add3A_317 = arith.addi %mul3A_17, %add3A_316 : vector<16xi32>
    %gather3A_318 = tpu.vector_load_idx %arg6[%add3A_317] : memref<640xf32, #tpu.memory_space<vmem>>[vector<16xi32>], vector<16xf32>,
    %eq3A_319 = arith.constant 1 : i32
    %eq3A_320 = vector.broadcast %eq3A_319 : i32 to vector<16xi32>
    %eq3A_321 = arith.cmpi eq, %get3A_290, %eq3A_320 : vector<16xi32>
    %jit3A_322 = arith.constant -1.000000e+00 : f32
    %broadcast_in_dim3A_323 = vector.broadcast %jit3A_322 : f32 to vector<16xf32>
    %select_n3A_324 = arith.select %eq3A_321, %broadcast_in_dim3A_323, %select_n3A_298 : vector<16xi1>, vector<16xf32>
    %sub3A_325 = arith.subf %gather3A_318, %get3A_288 : vector<16xf32>
    %mul3A_326 = arith.mulf %sub3A_325, %select_n3A_324 : vector<16xf32>
    %max3A_327 = arith.constant 0.000000e+00 : f32
    %max3A_328 = vector.broadcast %max3A_327 : f32 to vector<16xf32>
    %max3A_329 = arith.maximumf %mul3A_326, %max3A_328 : vector<16xf32>
    %add3A_330 = arith.addf %add3A_314, %max3A_329 : vector<16xf32>
    %add3A_331 = arith.constant 242 : i32
    %add3A_332 = vector.broadcast %add3A_331 : i32 to vector<16xi32>
    %add3A_333 = arith.addi %mul3A_17, %add3A_332 : vector<16xi32>
    %gather3A_334 = tpu.vector_load_idx %arg6[%add3A_333] : memref<640xf32, #tpu.memory_space<vmem>>[vector<16xi32>], vector<16xf32>,
    %eq3A_335 = arith.constant 2 : i32
    %eq3A_336 = vector.broadcast %eq3A_335 : i32 to vector<16xi32>
    %eq3A_337 = arith.cmpi eq, %get3A_290, %eq3A_336 : vector<16xi32>
    %jit3A_338 = arith.constant -1.000000e+00 : f32
    %broadcast_in_dim3A_339 = vector.broadcast %jit3A_338 : f32 to vector<16xf32>
    %select_n3A_340 = arith.select %eq3A_337, %broadcast_in_dim3A_339, %select_n3A_298 : vector<16xi1>, vector<16xf32>
    %sub3A_341 = arith.subf %gather3A_334, %get3A_288 : vector<16xf32>
    %mul3A_342 = arith.mulf %sub3A_341, %select_n3A_340 : vector<16xf32>
    %max3A_343 = arith.constant 0.000000e+00 : f32
    %max3A_344 = vector.broadcast %max3A_343 : f32 to vector<16xf32>
    %max3A_345 = arith.maximumf %mul3A_342, %max3A_344 : vector<16xf32>
    %add3A_346 = arith.addf %add3A_330, %max3A_345 : vector<16xf32>
    %add3A_347 = arith.constant 243 : i32
    %add3A_348 = vector.broadcast %add3A_347 : i32 to vector<16xi32>
    %add3A_349 = arith.addi %mul3A_17, %add3A_348 : vector<16xi32>
    %gather3A_350 = tpu.vector_load_idx %arg6[%add3A_349] : memref<640xf32, #tpu.memory_space<vmem>>[vector<16xi32>], vector<16xf32>,
    %eq3A_351 = arith.constant 3 : i32
    %eq3A_352 = vector.broadcast %eq3A_351 : i32 to vector<16xi32>
    %eq3A_353 = arith.cmpi eq, %get3A_290, %eq3A_352 : vector<16xi32>
    %jit3A_354 = arith.constant -1.000000e+00 : f32
    %broadcast_in_dim3A_355 = vector.broadcast %jit3A_354 : f32 to vector<16xf32>
    %select_n3A_356 = arith.select %eq3A_353, %broadcast_in_dim3A_355, %select_n3A_298 : vector<16xi1>, vector<16xf32>
    %sub3A_357 = arith.subf %gather3A_350, %get3A_288 : vector<16xf32>
    %mul3A_358 = arith.mulf %sub3A_357, %select_n3A_356 : vector<16xf32>
    %max3A_359 = arith.constant 0.000000e+00 : f32
    %max3A_360 = vector.broadcast %max3A_359 : f32 to vector<16xf32>
    %max3A_361 = arith.maximumf %mul3A_358, %max3A_360 : vector<16xf32>
    %add3A_362 = arith.addf %add3A_346, %max3A_361 : vector<16xf32>
    %add3A_363 = arith.constant 244 : i32
    %add3A_364 = vector.broadcast %add3A_363 : i32 to vector<16xi32>
    %add3A_365 = arith.addi %mul3A_17, %add3A_364 : vector<16xi32>
    %gather3A_366 = tpu.vector_load_idx %arg6[%add3A_365] : memref<640xf32, #tpu.memory_space<vmem>>[vector<16xi32>], vector<16xf32>,
    %eq3A_367 = arith.constant 4 : i32
    %eq3A_368 = vector.broadcast %eq3A_367 : i32 to vector<16xi32>
    %eq3A_369 = arith.cmpi eq, %get3A_290, %eq3A_368 : vector<16xi32>
    %jit3A_370 = arith.constant -1.000000e+00 : f32
    %broadcast_in_dim3A_371 = vector.broadcast %jit3A_370 : f32 to vector<16xf32>
    %select_n3A_372 = arith.select %eq3A_369, %broadcast_in_dim3A_371, %select_n3A_298 : vector<16xi1>, vector<16xf32>
    %sub3A_373 = arith.subf %gather3A_366, %get3A_288 : vector<16xf32>
    %mul3A_374 = arith.mulf %sub3A_373, %select_n3A_372 : vector<16xf32>
    %max3A_375 = arith.constant 0.000000e+00 : f32
    %max3A_376 = vector.broadcast %max3A_375 : f32 to vector<16xf32>
    %max3A_377 = arith.maximumf %mul3A_374, %max3A_376 : vector<16xf32>
    %add3A_378 = arith.addf %add3A_362, %max3A_377 : vector<16xf32>
    %get3A_379 = arith.constant 64 : index
    %get3A_380 = tpu.vector_load %arg7[%get3A_379] {strides = array<i32>} : memref<128xf32, #tpu.memory_space<vmem>>, vector<16xf32>,
    %get3A_381 = arith.constant 64 : index
    %get3A_382 = tpu.vector_load %arg8[%get3A_381] {strides = array<i32>} : memref<128xi32, #tpu.memory_space<vmem>>, vector<16xi32>,
    %le3A_383 = arith.constant 0.000000e+00 : f32
    %le3A_384 = vector.broadcast %le3A_383 : f32 to vector<16xf32>
    %le3A_385 = arith.cmpf ole, %get3A_380, %le3A_384 : vector<16xf32>
    %jit3A_386 = arith.constant -1.000000e+00 : f32
    %jit3A_387 = arith.constant 1.000000e+00 : f32
    %broadcast_in_dim3A_388 = vector.broadcast %jit3A_386 : f32 to vector<16xf32>
    %broadcast_in_dim3A_389 = vector.broadcast %jit3A_387 : f32 to vector<16xf32>
    %select_n3A_390 = arith.select %le3A_385, %broadcast_in_dim3A_388, %broadcast_in_dim3A_389 : vector<16xi1>, vector<16xf32>
    %add3A_391 = arith.constant 320 : i32
    %add3A_392 = vector.broadcast %add3A_391 : i32 to vector<16xi32>
    %add3A_393 = arith.addi %mul3A_17, %add3A_392 : vector<16xi32>
    %gather3A_394 = tpu.vector_load_idx %arg6[%add3A_393] : memref<640xf32, #tpu.memory_space<vmem>>[vector<16xi32>], vector<16xf32>,
    %eq3A_395 = arith.constant 0 : i32
    %eq3A_396 = vector.broadcast %eq3A_395 : i32 to vector<16xi32>
    %eq3A_397 = arith.cmpi eq, %get3A_382, %eq3A_396 : vector<16xi32>
    %jit3A_398 = arith.constant -1.000000e+00 : f32
    %broadcast_in_dim3A_399 = vector.broadcast %jit3A_398 : f32 to vector<16xf32>
    %select_n3A_400 = arith.select %eq3A_397, %broadcast_in_dim3A_399, %select_n3A_390 : vector<16xi1>, vector<16xf32>
    %sub3A_401 = arith.subf %gather3A_394, %get3A_380 : vector<16xf32>
    %mul3A_402 = arith.mulf %sub3A_401, %select_n3A_400 : vector<16xf32>
    %max3A_403 = arith.constant 0.000000e+00 : f32
    %max3A_404 = vector.broadcast %max3A_403 : f32 to vector<16xf32>
    %max3A_405 = arith.maximumf %mul3A_402, %max3A_404 : vector<16xf32>
    %add3A_406 = arith.addf %add3A_378, %max3A_405 : vector<16xf32>
    %add3A_407 = arith.constant 321 : i32
    %add3A_408 = vector.broadcast %add3A_407 : i32 to vector<16xi32>
    %add3A_409 = arith.addi %mul3A_17, %add3A_408 : vector<16xi32>
    %gather3A_410 = tpu.vector_load_idx %arg6[%add3A_409] : memref<640xf32, #tpu.memory_space<vmem>>[vector<16xi32>], vector<16xf32>,
    %eq3A_411 = arith.constant 1 : i32
    %eq3A_412 = vector.broadcast %eq3A_411 : i32 to vector<16xi32>
    %eq3A_413 = arith.cmpi eq, %get3A_382, %eq3A_412 : vector<16xi32>
    %jit3A_414 = arith.constant -1.000000e+00 : f32
    %broadcast_in_dim3A_415 = vector.broadcast %jit3A_414 : f32 to vector<16xf32>
    %select_n3A_416 = arith.select %eq3A_413, %broadcast_in_dim3A_415, %select_n3A_390 : vector<16xi1>, vector<16xf32>
    %sub3A_417 = arith.subf %gather3A_410, %get3A_380 : vector<16xf32>
    %mul3A_418 = arith.mulf %sub3A_417, %select_n3A_416 : vector<16xf32>
    %max3A_419 = arith.constant 0.000000e+00 : f32
    %max3A_420 = vector.broadcast %max3A_419 : f32 to vector<16xf32>
    %max3A_421 = arith.maximumf %mul3A_418, %max3A_420 : vector<16xf32>
    %add3A_422 = arith.addf %add3A_406, %max3A_421 : vector<16xf32>
    %add3A_423 = arith.constant 322 : i32
    %add3A_424 = vector.broadcast %add3A_423 : i32 to vector<16xi32>
    %add3A_425 = arith.addi %mul3A_17, %add3A_424 : vector<16xi32>
    %gather3A_426 = tpu.vector_load_idx %arg6[%add3A_425] : memref<640xf32, #tpu.memory_space<vmem>>[vector<16xi32>], vector<16xf32>,
    %eq3A_427 = arith.constant 2 : i32
    %eq3A_428 = vector.broadcast %eq3A_427 : i32 to vector<16xi32>
    %eq3A_429 = arith.cmpi eq, %get3A_382, %eq3A_428 : vector<16xi32>
    %jit3A_430 = arith.constant -1.000000e+00 : f32
    %broadcast_in_dim3A_431 = vector.broadcast %jit3A_430 : f32 to vector<16xf32>
    %select_n3A_432 = arith.select %eq3A_429, %broadcast_in_dim3A_431, %select_n3A_390 : vector<16xi1>, vector<16xf32>
    %sub3A_433 = arith.subf %gather3A_426, %get3A_380 : vector<16xf32>
    %mul3A_434 = arith.mulf %sub3A_433, %select_n3A_432 : vector<16xf32>
    %max3A_435 = arith.constant 0.000000e+00 : f32
    %max3A_436 = vector.broadcast %max3A_435 : f32 to vector<16xf32>
    %max3A_437 = arith.maximumf %mul3A_434, %max3A_436 : vector<16xf32>
    %add3A_438 = arith.addf %add3A_422, %max3A_437 : vector<16xf32>
    %add3A_439 = arith.constant 323 : i32
    %add3A_440 = vector.broadcast %add3A_439 : i32 to vector<16xi32>
    %add3A_441 = arith.addi %mul3A_17, %add3A_440 : vector<16xi32>
    %gather3A_442 = tpu.vector_load_idx %arg6[%add3A_441] : memref<640xf32, #tpu.memory_space<vmem>>[vector<16xi32>], vector<16xf32>,
    %eq3A_443 = arith.constant 3 : i32
    %eq3A_444 = vector.broadcast %eq3A_443 : i32 to vector<16xi32>
    %eq3A_445 = arith.cmpi eq, %get3A_382, %eq3A_444 : vector<16xi32>
    %jit3A_446 = arith.constant -1.000000e+00 : f32
    %broadcast_in_dim3A_447 = vector.broadcast %jit3A_446 : f32 to vector<16xf32>
    %select_n3A_448 = arith.select %eq3A_445, %broadcast_in_dim3A_447, %select_n3A_390 : vector<16xi1>, vector<16xf32>
    %sub3A_449 = arith.subf %gather3A_442, %get3A_380 : vector<16xf32>
    %mul3A_450 = arith.mulf %sub3A_449, %select_n3A_448 : vector<16xf32>
    %max3A_451 = arith.constant 0.000000e+00 : f32
    %max3A_452 = vector.broadcast %max3A_451 : f32 to vector<16xf32>
    %max3A_453 = arith.maximumf %mul3A_450, %max3A_452 : vector<16xf32>
    %add3A_454 = arith.addf %add3A_438, %max3A_453 : vector<16xf32>
    %add3A_455 = arith.constant 324 : i32
    %add3A_456 = vector.broadcast %add3A_455 : i32 to vector<16xi32>
    %add3A_457 = arith.addi %mul3A_17, %add3A_456 : vector<16xi32>
    %gather3A_458 = tpu.vector_load_idx %arg6[%add3A_457] : memref<640xf32, #tpu.memory_space<vmem>>[vector<16xi32>], vector<16xf32>,
    %eq3A_459 = arith.constant 4 : i32
    %eq3A_460 = vector.broadcast %eq3A_459 : i32 to vector<16xi32>
    %eq3A_461 = arith.cmpi eq, %get3A_382, %eq3A_460 : vector<16xi32>
    %jit3A_462 = arith.constant -1.000000e+00 : f32
    %broadcast_in_dim3A_463 = vector.broadcast %jit3A_462 : f32 to vector<16xf32>
    %select_n3A_464 = arith.select %eq3A_461, %broadcast_in_dim3A_463, %select_n3A_390 : vector<16xi1>, vector<16xf32>
    %sub3A_465 = arith.subf %gather3A_458, %get3A_380 : vector<16xf32>
    %mul3A_466 = arith.mulf %sub3A_465, %select_n3A_464 : vector<16xf32>
    %max3A_467 = arith.constant 0.000000e+00 : f32
    %max3A_468 = vector.broadcast %max3A_467 : f32 to vector<16xf32>
    %max3A_469 = arith.maximumf %mul3A_466, %max3A_468 : vector<16xf32>
    %add3A_470 = arith.addf %add3A_454, %max3A_469 : vector<16xf32>
    %get3A_471 = arith.constant 80 : index
    %get3A_472 = tpu.vector_load %arg7[%get3A_471] {strides = array<i32>} : memref<128xf32, #tpu.memory_space<vmem>>, vector<16xf32>,
    %get3A_473 = arith.constant 80 : index
    %get3A_474 = tpu.vector_load %arg8[%get3A_473] {strides = array<i32>} : memref<128xi32, #tpu.memory_space<vmem>>, vector<16xi32>,
    %le3A_475 = arith.constant 0.000000e+00 : f32
    %le3A_476 = vector.broadcast %le3A_475 : f32 to vector<16xf32>
    %le3A_477 = arith.cmpf ole, %get3A_472, %le3A_476 : vector<16xf32>
    %jit3A_478 = arith.constant -1.000000e+00 : f32
    %jit3A_479 = arith.constant 1.000000e+00 : f32
    %broadcast_in_dim3A_480 = vector.broadcast %jit3A_478 : f32 to vector<16xf32>
    %broadcast_in_dim3A_481 = vector.broadcast %jit3A_479 : f32 to vector<16xf32>
    %select_n3A_482 = arith.select %le3A_477, %broadcast_in_dim3A_480, %broadcast_in_dim3A_481 : vector<16xi1>, vector<16xf32>
    %add3A_483 = arith.constant 400 : i32
    %add3A_484 = vector.broadcast %add3A_483 : i32 to vector<16xi32>
    %add3A_485 = arith.addi %mul3A_17, %add3A_484 : vector<16xi32>
    %gather3A_486 = tpu.vector_load_idx %arg6[%add3A_485] : memref<640xf32, #tpu.memory_space<vmem>>[vector<16xi32>], vector<16xf32>,
    %eq3A_487 = arith.constant 0 : i32
    %eq3A_488 = vector.broadcast %eq3A_487 : i32 to vector<16xi32>
    %eq3A_489 = arith.cmpi eq, %get3A_474, %eq3A_488 : vector<16xi32>
    %jit3A_490 = arith.constant -1.000000e+00 : f32
    %broadcast_in_dim3A_491 = vector.broadcast %jit3A_490 : f32 to vector<16xf32>
    %select_n3A_492 = arith.select %eq3A_489, %broadcast_in_dim3A_491, %select_n3A_482 : vector<16xi1>, vector<16xf32>
    %sub3A_493 = arith.subf %gather3A_486, %get3A_472 : vector<16xf32>
    %mul3A_494 = arith.mulf %sub3A_493, %select_n3A_492 : vector<16xf32>
    %max3A_495 = arith.constant 0.000000e+00 : f32
    %max3A_496 = vector.broadcast %max3A_495 : f32 to vector<16xf32>
    %max3A_497 = arith.maximumf %mul3A_494, %max3A_496 : vector<16xf32>
    %add3A_498 = arith.addf %add3A_470, %max3A_497 : vector<16xf32>
    %add3A_499 = arith.constant 401 : i32
    %add3A_500 = vector.broadcast %add3A_499 : i32 to vector<16xi32>
    %add3A_501 = arith.addi %mul3A_17, %add3A_500 : vector<16xi32>
    %gather3A_502 = tpu.vector_load_idx %arg6[%add3A_501] : memref<640xf32, #tpu.memory_space<vmem>>[vector<16xi32>], vector<16xf32>,
    %eq3A_503 = arith.constant 1 : i32
    %eq3A_504 = vector.broadcast %eq3A_503 : i32 to vector<16xi32>
    %eq3A_505 = arith.cmpi eq, %get3A_474, %eq3A_504 : vector<16xi32>
    %jit3A_506 = arith.constant -1.000000e+00 : f32
    %broadcast_in_dim3A_507 = vector.broadcast %jit3A_506 : f32 to vector<16xf32>
    %select_n3A_508 = arith.select %eq3A_505, %broadcast_in_dim3A_507, %select_n3A_482 : vector<16xi1>, vector<16xf32>
    %sub3A_509 = arith.subf %gather3A_502, %get3A_472 : vector<16xf32>
    %mul3A_510 = arith.mulf %sub3A_509, %select_n3A_508 : vector<16xf32>
    %max3A_511 = arith.constant 0.000000e+00 : f32
    %max3A_512 = vector.broadcast %max3A_511 : f32 to vector<16xf32>
    %max3A_513 = arith.maximumf %mul3A_510, %max3A_512 : vector<16xf32>
    %add3A_514 = arith.addf %add3A_498, %max3A_513 : vector<16xf32>
    %add3A_515 = arith.constant 402 : i32
    %add3A_516 = vector.broadcast %add3A_515 : i32 to vector<16xi32>
    %add3A_517 = arith.addi %mul3A_17, %add3A_516 : vector<16xi32>
    %gather3A_518 = tpu.vector_load_idx %arg6[%add3A_517] : memref<640xf32, #tpu.memory_space<vmem>>[vector<16xi32>], vector<16xf32>,
    %eq3A_519 = arith.constant 2 : i32
    %eq3A_520 = vector.broadcast %eq3A_519 : i32 to vector<16xi32>
    %eq3A_521 = arith.cmpi eq, %get3A_474, %eq3A_520 : vector<16xi32>
    %jit3A_522 = arith.constant -1.000000e+00 : f32
    %broadcast_in_dim3A_523 = vector.broadcast %jit3A_522 : f32 to vector<16xf32>
    %select_n3A_524 = arith.select %eq3A_521, %broadcast_in_dim3A_523, %select_n3A_482 : vector<16xi1>, vector<16xf32>
    %sub3A_525 = arith.subf %gather3A_518, %get3A_472 : vector<16xf32>
    %mul3A_526 = arith.mulf %sub3A_525, %select_n3A_524 : vector<16xf32>
    %max3A_527 = arith.constant 0.000000e+00 : f32
    %max3A_528 = vector.broadcast %max3A_527 : f32 to vector<16xf32>
    %max3A_529 = arith.maximumf %mul3A_526, %max3A_528 : vector<16xf32>
    %add3A_530 = arith.addf %add3A_514, %max3A_529 : vector<16xf32>
    %add3A_531 = arith.constant 403 : i32
    %add3A_532 = vector.broadcast %add3A_531 : i32 to vector<16xi32>
    %add3A_533 = arith.addi %mul3A_17, %add3A_532 : vector<16xi32>
    %gather3A_534 = tpu.vector_load_idx %arg6[%add3A_533] : memref<640xf32, #tpu.memory_space<vmem>>[vector<16xi32>], vector<16xf32>,
    %eq3A_535 = arith.constant 3 : i32
    %eq3A_536 = vector.broadcast %eq3A_535 : i32 to vector<16xi32>
    %eq3A_537 = arith.cmpi eq, %get3A_474, %eq3A_536 : vector<16xi32>
    %jit3A_538 = arith.constant -1.000000e+00 : f32
    %broadcast_in_dim3A_539 = vector.broadcast %jit3A_538 : f32 to vector<16xf32>
    %select_n3A_540 = arith.select %eq3A_537, %broadcast_in_dim3A_539, %select_n3A_482 : vector<16xi1>, vector<16xf32>
    %sub3A_541 = arith.subf %gather3A_534, %get3A_472 : vector<16xf32>
    %mul3A_542 = arith.mulf %sub3A_541, %select_n3A_540 : vector<16xf32>
    %max3A_543 = arith.constant 0.000000e+00 : f32
    %max3A_544 = vector.broadcast %max3A_543 : f32 to vector<16xf32>
    %max3A_545 = arith.maximumf %mul3A_542, %max3A_544 : vector<16xf32>
    %add3A_546 = arith.addf %add3A_530, %max3A_545 : vector<16xf32>
    %add3A_547 = arith.constant 404 : i32
    %add3A_548 = vector.broadcast %add3A_547 : i32 to vector<16xi32>
    %add3A_549 = arith.addi %mul3A_17, %add3A_548 : vector<16xi32>
    %gather3A_550 = tpu.vector_load_idx %arg6[%add3A_549] : memref<640xf32, #tpu.memory_space<vmem>>[vector<16xi32>], vector<16xf32>,
    %eq3A_551 = arith.constant 4 : i32
    %eq3A_552 = vector.broadcast %eq3A_551 : i32 to vector<16xi32>
    %eq3A_553 = arith.cmpi eq, %get3A_474, %eq3A_552 : vector<16xi32>
    %jit3A_554 = arith.constant -1.000000e+00 : f32
    %broadcast_in_dim3A_555 = vector.broadcast %jit3A_554 : f32 to vector<16xf32>
    %select_n3A_556 = arith.select %eq3A_553, %broadcast_in_dim3A_555, %select_n3A_482 : vector<16xi1>, vector<16xf32>
    %sub3A_557 = arith.subf %gather3A_550, %get3A_472 : vector<16xf32>
    %mul3A_558 = arith.mulf %sub3A_557, %select_n3A_556 : vector<16xf32>
    %max3A_559 = arith.constant 0.000000e+00 : f32
    %max3A_560 = vector.broadcast %max3A_559 : f32 to vector<16xf32>
    %max3A_561 = arith.maximumf %mul3A_558, %max3A_560 : vector<16xf32>
    %add3A_562 = arith.addf %add3A_546, %max3A_561 : vector<16xf32>
    %get3A_563 = arith.constant 96 : index
    %get3A_564 = tpu.vector_load %arg7[%get3A_563] {strides = array<i32>} : memref<128xf32, #tpu.memory_space<vmem>>, vector<16xf32>,
    %get3A_565 = arith.constant 96 : index
    %get3A_566 = tpu.vector_load %arg8[%get3A_565] {strides = array<i32>} : memref<128xi32, #tpu.memory_space<vmem>>, vector<16xi32>,
    %le3A_567 = arith.constant 0.000000e+00 : f32
    %le3A_568 = vector.broadcast %le3A_567 : f32 to vector<16xf32>
    %le3A_569 = arith.cmpf ole, %get3A_564, %le3A_568 : vector<16xf32>
    %jit3A_570 = arith.constant -1.000000e+00 : f32
    %jit3A_571 = arith.constant 1.000000e+00 : f32
    %broadcast_in_dim3A_572 = vector.broadcast %jit3A_570 : f32 to vector<16xf32>
    %broadcast_in_dim3A_573 = vector.broadcast %jit3A_571 : f32 to vector<16xf32>
    %select_n3A_574 = arith.select %le3A_569, %broadcast_in_dim3A_572, %broadcast_in_dim3A_573 : vector<16xi1>, vector<16xf32>
    %add3A_575 = arith.constant 480 : i32
    %add3A_576 = vector.broadcast %add3A_575 : i32 to vector<16xi32>
    %add3A_577 = arith.addi %mul3A_17, %add3A_576 : vector<16xi32>
    %gather3A_578 = tpu.vector_load_idx %arg6[%add3A_577] : memref<640xf32, #tpu.memory_space<vmem>>[vector<16xi32>], vector<16xf32>,
    %eq3A_579 = arith.constant 0 : i32
    %eq3A_580 = vector.broadcast %eq3A_579 : i32 to vector<16xi32>
    %eq3A_581 = arith.cmpi eq, %get3A_566, %eq3A_580 : vector<16xi32>
    %jit3A_582 = arith.constant -1.000000e+00 : f32
    %broadcast_in_dim3A_583 = vector.broadcast %jit3A_582 : f32 to vector<16xf32>
    %select_n3A_584 = arith.select %eq3A_581, %broadcast_in_dim3A_583, %select_n3A_574 : vector<16xi1>, vector<16xf32>
    %sub3A_585 = arith.subf %gather3A_578, %get3A_564 : vector<16xf32>
    %mul3A_586 = arith.mulf %sub3A_585, %select_n3A_584 : vector<16xf32>
    %max3A_587 = arith.constant 0.000000e+00 : f32
    %max3A_588 = vector.broadcast %max3A_587 : f32 to vector<16xf32>
    %max3A_589 = arith.maximumf %mul3A_586, %max3A_588 : vector<16xf32>
    %add3A_590 = arith.addf %add3A_562, %max3A_589 : vector<16xf32>
    %add3A_591 = arith.constant 481 : i32
    %add3A_592 = vector.broadcast %add3A_591 : i32 to vector<16xi32>
    %add3A_593 = arith.addi %mul3A_17, %add3A_592 : vector<16xi32>
    %gather3A_594 = tpu.vector_load_idx %arg6[%add3A_593] : memref<640xf32, #tpu.memory_space<vmem>>[vector<16xi32>], vector<16xf32>,
    %eq3A_595 = arith.constant 1 : i32
    %eq3A_596 = vector.broadcast %eq3A_595 : i32 to vector<16xi32>
    %eq3A_597 = arith.cmpi eq, %get3A_566, %eq3A_596 : vector<16xi32>
    %jit3A_598 = arith.constant -1.000000e+00 : f32
    %broadcast_in_dim3A_599 = vector.broadcast %jit3A_598 : f32 to vector<16xf32>
    %select_n3A_600 = arith.select %eq3A_597, %broadcast_in_dim3A_599, %select_n3A_574 : vector<16xi1>, vector<16xf32>
    %sub3A_601 = arith.subf %gather3A_594, %get3A_564 : vector<16xf32>
    %mul3A_602 = arith.mulf %sub3A_601, %select_n3A_600 : vector<16xf32>
    %max3A_603 = arith.constant 0.000000e+00 : f32
    %max3A_604 = vector.broadcast %max3A_603 : f32 to vector<16xf32>
    %max3A_605 = arith.maximumf %mul3A_602, %max3A_604 : vector<16xf32>
    %add3A_606 = arith.addf %add3A_590, %max3A_605 : vector<16xf32>
    %add3A_607 = arith.constant 482 : i32
    %add3A_608 = vector.broadcast %add3A_607 : i32 to vector<16xi32>
    %add3A_609 = arith.addi %mul3A_17, %add3A_608 : vector<16xi32>
    %gather3A_610 = tpu.vector_load_idx %arg6[%add3A_609] : memref<640xf32, #tpu.memory_space<vmem>>[vector<16xi32>], vector<16xf32>,
    %eq3A_611 = arith.constant 2 : i32
    %eq3A_612 = vector.broadcast %eq3A_611 : i32 to vector<16xi32>
    %eq3A_613 = arith.cmpi eq, %get3A_566, %eq3A_612 : vector<16xi32>
    %jit3A_614 = arith.constant -1.000000e+00 : f32
    %broadcast_in_dim3A_615 = vector.broadcast %jit3A_614 : f32 to vector<16xf32>
    %select_n3A_616 = arith.select %eq3A_613, %broadcast_in_dim3A_615, %select_n3A_574 : vector<16xi1>, vector<16xf32>
    %sub3A_617 = arith.subf %gather3A_610, %get3A_564 : vector<16xf32>
    %mul3A_618 = arith.mulf %sub3A_617, %select_n3A_616 : vector<16xf32>
    %max3A_619 = arith.constant 0.000000e+00 : f32
    %max3A_620 = vector.broadcast %max3A_619 : f32 to vector<16xf32>
    %max3A_621 = arith.maximumf %mul3A_618, %max3A_620 : vector<16xf32>
    %add3A_622 = arith.addf %add3A_606, %max3A_621 : vector<16xf32>
    %add3A_623 = arith.constant 483 : i32
    %add3A_624 = vector.broadcast %add3A_623 : i32 to vector<16xi32>
    %add3A_625 = arith.addi %mul3A_17, %add3A_624 : vector<16xi32>
    %gather3A_626 = tpu.vector_load_idx %arg6[%add3A_625] : memref<640xf32, #tpu.memory_space<vmem>>[vector<16xi32>], vector<16xf32>,
    %eq3A_627 = arith.constant 3 : i32
    %eq3A_628 = vector.broadcast %eq3A_627 : i32 to vector<16xi32>
    %eq3A_629 = arith.cmpi eq, %get3A_566, %eq3A_628 : vector<16xi32>
    %jit3A_630 = arith.constant -1.000000e+00 : f32
    %broadcast_in_dim3A_631 = vector.broadcast %jit3A_630 : f32 to vector<16xf32>
    %select_n3A_632 = arith.select %eq3A_629, %broadcast_in_dim3A_631, %select_n3A_574 : vector<16xi1>, vector<16xf32>
    %sub3A_633 = arith.subf %gather3A_626, %get3A_564 : vector<16xf32>
    %mul3A_634 = arith.mulf %sub3A_633, %select_n3A_632 : vector<16xf32>
    %max3A_635 = arith.constant 0.000000e+00 : f32
    %max3A_636 = vector.broadcast %max3A_635 : f32 to vector<16xf32>
    %max3A_637 = arith.maximumf %mul3A_634, %max3A_636 : vector<16xf32>
    %add3A_638 = arith.addf %add3A_622, %max3A_637 : vector<16xf32>
    %add3A_639 = arith.constant 484 : i32
    %add3A_640 = vector.broadcast %add3A_639 : i32 to vector<16xi32>
    %add3A_641 = arith.addi %mul3A_17, %add3A_640 : vector<16xi32>
    %gather3A_642 = tpu.vector_load_idx %arg6[%add3A_641] : memref<640xf32, #tpu.memory_space<vmem>>[vector<16xi32>], vector<16xf32>,
    %eq3A_643 = arith.constant 4 : i32
    %eq3A_644 = vector.broadcast %eq3A_643 : i32 to vector<16xi32>
    %eq3A_645 = arith.cmpi eq, %get3A_566, %eq3A_644 : vector<16xi32>
    %jit3A_646 = arith.constant -1.000000e+00 : f32
    %broadcast_in_dim3A_647 = vector.broadcast %jit3A_646 : f32 to vector<16xf32>
    %select_n3A_648 = arith.select %eq3A_645, %broadcast_in_dim3A_647, %select_n3A_574 : vector<16xi1>, vector<16xf32>
    %sub3A_649 = arith.subf %gather3A_642, %get3A_564 : vector<16xf32>
    %mul3A_650 = arith.mulf %sub3A_649, %select_n3A_648 : vector<16xf32>
    %max3A_651 = arith.constant 0.000000e+00 : f32
    %max3A_652 = vector.broadcast %max3A_651 : f32 to vector<16xf32>
    %max3A_653 = arith.maximumf %mul3A_650, %max3A_652 : vector<16xf32>
    %add3A_654 = arith.addf %add3A_638, %max3A_653 : vector<16xf32>
    %get3A_655 = arith.constant 112 : index
    %get3A_656 = tpu.vector_load %arg7[%get3A_655] {strides = array<i32>} : memref<128xf32, #tpu.memory_space<vmem>>, vector<16xf32>,
    %get3A_657 = arith.constant 112 : index
    %get3A_658 = tpu.vector_load %arg8[%get3A_657] {strides = array<i32>} : memref<128xi32, #tpu.memory_space<vmem>>, vector<16xi32>,
    %le3A_659 = arith.constant 0.000000e+00 : f32
    %le3A_660 = vector.broadcast %le3A_659 : f32 to vector<16xf32>
    %le3A_661 = arith.cmpf ole, %get3A_656, %le3A_660 : vector<16xf32>
    %jit3A_662 = arith.constant -1.000000e+00 : f32
    %jit3A_663 = arith.constant 1.000000e+00 : f32
    %broadcast_in_dim3A_664 = vector.broadcast %jit3A_662 : f32 to vector<16xf32>
    %broadcast_in_dim3A_665 = vector.broadcast %jit3A_663 : f32 to vector<16xf32>
    %select_n3A_666 = arith.select %le3A_661, %broadcast_in_dim3A_664, %broadcast_in_dim3A_665 : vector<16xi1>, vector<16xf32>
    %add3A_667 = arith.constant 560 : i32
    %add3A_668 = vector.broadcast %add3A_667 : i32 to vector<16xi32>
    %add3A_669 = arith.addi %mul3A_17, %add3A_668 : vector<16xi32>
    %gather3A_670 = tpu.vector_load_idx %arg6[%add3A_669] : memref<640xf32, #tpu.memory_space<vmem>>[vector<16xi32>], vector<16xf32>,
    %eq3A_671 = arith.constant 0 : i32
    %eq3A_672 = vector.broadcast %eq3A_671 : i32 to vector<16xi32>
    %eq3A_673 = arith.cmpi eq, %get3A_658, %eq3A_672 : vector<16xi32>
    %jit3A_674 = arith.constant -1.000000e+00 : f32
    %broadcast_in_dim3A_675 = vector.broadcast %jit3A_674 : f32 to vector<16xf32>
    %select_n3A_676 = arith.select %eq3A_673, %broadcast_in_dim3A_675, %select_n3A_666 : vector<16xi1>, vector<16xf32>
    %sub3A_677 = arith.subf %gather3A_670, %get3A_656 : vector<16xf32>
    %mul3A_678 = arith.mulf %sub3A_677, %select_n3A_676 : vector<16xf32>
    %max3A_679 = arith.constant 0.000000e+00 : f32
    %max3A_680 = vector.broadcast %max3A_679 : f32 to vector<16xf32>
    %max3A_681 = arith.maximumf %mul3A_678, %max3A_680 : vector<16xf32>
    %add3A_682 = arith.addf %add3A_654, %max3A_681 : vector<16xf32>
    %add3A_683 = arith.constant 561 : i32
    %add3A_684 = vector.broadcast %add3A_683 : i32 to vector<16xi32>
    %add3A_685 = arith.addi %mul3A_17, %add3A_684 : vector<16xi32>
    %gather3A_686 = tpu.vector_load_idx %arg6[%add3A_685] : memref<640xf32, #tpu.memory_space<vmem>>[vector<16xi32>], vector<16xf32>,
    %eq3A_687 = arith.constant 1 : i32
    %eq3A_688 = vector.broadcast %eq3A_687 : i32 to vector<16xi32>
    %eq3A_689 = arith.cmpi eq, %get3A_658, %eq3A_688 : vector<16xi32>
    %jit3A_690 = arith.constant -1.000000e+00 : f32
    %broadcast_in_dim3A_691 = vector.broadcast %jit3A_690 : f32 to vector<16xf32>
    %select_n3A_692 = arith.select %eq3A_689, %broadcast_in_dim3A_691, %select_n3A_666 : vector<16xi1>, vector<16xf32>
    %sub3A_693 = arith.subf %gather3A_686, %get3A_656 : vector<16xf32>
    %mul3A_694 = arith.mulf %sub3A_693, %select_n3A_692 : vector<16xf32>
    %max3A_695 = arith.constant 0.000000e+00 : f32
    %max3A_696 = vector.broadcast %max3A_695 : f32 to vector<16xf32>
    %max3A_697 = arith.maximumf %mul3A_694, %max3A_696 : vector<16xf32>
    %add3A_698 = arith.addf %add3A_682, %max3A_697 : vector<16xf32>
    %add3A_699 = arith.constant 562 : i32
    %add3A_700 = vector.broadcast %add3A_699 : i32 to vector<16xi32>
    %add3A_701 = arith.addi %mul3A_17, %add3A_700 : vector<16xi32>
    %gather3A_702 = tpu.vector_load_idx %arg6[%add3A_701] : memref<640xf32, #tpu.memory_space<vmem>>[vector<16xi32>], vector<16xf32>,
    %eq3A_703 = arith.constant 2 : i32
    %eq3A_704 = vector.broadcast %eq3A_703 : i32 to vector<16xi32>
    %eq3A_705 = arith.cmpi eq, %get3A_658, %eq3A_704 : vector<16xi32>
    %jit3A_706 = arith.constant -1.000000e+00 : f32
    %broadcast_in_dim3A_707 = vector.broadcast %jit3A_706 : f32 to vector<16xf32>
    %select_n3A_708 = arith.select %eq3A_705, %broadcast_in_dim3A_707, %select_n3A_666 : vector<16xi1>, vector<16xf32>
    %sub3A_709 = arith.subf %gather3A_702, %get3A_656 : vector<16xf32>
    %mul3A_710 = arith.mulf %sub3A_709, %select_n3A_708 : vector<16xf32>
    %max3A_711 = arith.constant 0.000000e+00 : f32
    %max3A_712 = vector.broadcast %max3A_711 : f32 to vector<16xf32>
    %max3A_713 = arith.maximumf %mul3A_710, %max3A_712 : vector<16xf32>
    %add3A_714 = arith.addf %add3A_698, %max3A_713 : vector<16xf32>
    %add3A_715 = arith.constant 563 : i32
    %add3A_716 = vector.broadcast %add3A_715 : i32 to vector<16xi32>
    %add3A_717 = arith.addi %mul3A_17, %add3A_716 : vector<16xi32>
    %gather3A_718 = tpu.vector_load_idx %arg6[%add3A_717] : memref<640xf32, #tpu.memory_space<vmem>>[vector<16xi32>], vector<16xf32>,
    %eq3A_719 = arith.constant 3 : i32
    %eq3A_720 = vector.broadcast %eq3A_719 : i32 to vector<16xi32>
    %eq3A_721 = arith.cmpi eq, %get3A_658, %eq3A_720 : vector<16xi32>
    %jit3A_722 = arith.constant -1.000000e+00 : f32
    %broadcast_in_dim3A_723 = vector.broadcast %jit3A_722 : f32 to vector<16xf32>
    %select_n3A_724 = arith.select %eq3A_721, %broadcast_in_dim3A_723, %select_n3A_666 : vector<16xi1>, vector<16xf32>
    %sub3A_725 = arith.subf %gather3A_718, %get3A_656 : vector<16xf32>
    %mul3A_726 = arith.mulf %sub3A_725, %select_n3A_724 : vector<16xf32>
    %max3A_727 = arith.constant 0.000000e+00 : f32
    %max3A_728 = vector.broadcast %max3A_727 : f32 to vector<16xf32>
    %max3A_729 = arith.maximumf %mul3A_726, %max3A_728 : vector<16xf32>
    %add3A_730 = arith.addf %add3A_714, %max3A_729 : vector<16xf32>
    %add3A_731 = arith.constant 564 : i32
    %add3A_732 = vector.broadcast %add3A_731 : i32 to vector<16xi32>
    %add3A_733 = arith.addi %mul3A_17, %add3A_732 : vector<16xi32>
    %gather3A_734 = tpu.vector_load_idx %arg6[%add3A_733] : memref<640xf32, #tpu.memory_space<vmem>>[vector<16xi32>], vector<16xf32>,
    %eq3A_735 = arith.constant 4 : i32
    %eq3A_736 = vector.broadcast %eq3A_735 : i32 to vector<16xi32>
    %eq3A_737 = arith.cmpi eq, %get3A_658, %eq3A_736 : vector<16xi32>
    %jit3A_738 = arith.constant -1.000000e+00 : f32
    %broadcast_in_dim3A_739 = vector.broadcast %jit3A_738 : f32 to vector<16xf32>
    %select_n3A_740 = arith.select %eq3A_737, %broadcast_in_dim3A_739, %select_n3A_666 : vector<16xi1>, vector<16xf32>
    %sub3A_741 = arith.subf %gather3A_734, %get3A_656 : vector<16xf32>
    %mul3A_742 = arith.mulf %sub3A_741, %select_n3A_740 : vector<16xf32>
    %max3A_743 = arith.constant 0.000000e+00 : f32
    %max3A_744 = vector.broadcast %max3A_743 : f32 to vector<16xf32>
    %max3A_745 = arith.maximumf %mul3A_742, %max3A_744 : vector<16xf32>
    %add3A_746 = arith.addf %add3A_730, %max3A_745 : vector<16xf32>
    %swap3A = arith.constant 0 : index
    %swap3A_747 = tpu.vector_load %arg9[%swap3A] {strides = array<i32>} : memref<16xf32, #tpu.memory_space<vmem>>, vector<16xf32>,
    tpu.vector_store %arg9[%swap3A], %add3A_746 {strides = array<i32>} : memref<16xf32, #tpu.memory_space<vmem>>, vector<16xf32>,
    "tpu.region"() ({
      %run_scoped3A = tpu.sem_alloc : memref<!tpu.dma_semaphore, #tpu.memory_space<semaphore_mem>>
      %dma_start3A_748 = arith.constant 0 : i32
      %dma_start3A_749 = tpu.memref_slice %arg5[%add3A, %dma_start3A_748] : memref<16x16xf32, #tpu.memory_space<hbm>> -> memref<1x16xf32, #tpu.memory_space<hbm>>
      %dma_start3A_750 = tpu.memref_squeeze %dma_start3A_749 : memref<1x16xf32, #tpu.memory_space<hbm>> -> memref<16xf32, #tpu.memory_space<hbm>>
      %dma_start3A_751 = arith.constant 0 : i32
      %dma_start3A_752 = tpu.memref_slice %arg5[%add3A, %dma_start3A_751] : memref<16x16xf32, #tpu.memory_space<hbm>> -> memref<1x16xf32, #tpu.memory_space<hbm>>
      %dma_start3A_753 = tpu.memref_squeeze %dma_start3A_752 : memref<1x16xf32, #tpu.memory_space<hbm>> -> memref<16xf32, #tpu.memory_space<hbm>>
      tpu.enqueue_dma source(%arg9 : memref<16xf32, #tpu.memory_space<vmem>>) target(%dma_start3A_753 : memref<16xf32, #tpu.memory_space<hbm>>) target_semaphore(%run_scoped3A : memref<!tpu.dma_semaphore, #tpu.memory_space<semaphore_mem>>)
      %dma_wait3A_754 = arith.constant 0 : i32
      %dma_wait3A_755 = tpu.memref_slice %arg5[%add3A, %dma_wait3A_754] : memref<16x16xf32, #tpu.memory_space<hbm>> -> memref<1x16xf32, #tpu.memory_space<hbm>>
      %dma_wait3A_756 = tpu.memref_squeeze %dma_wait3A_755 : memref<1x16xf32, #tpu.memory_space<hbm>> -> memref<16xf32, #tpu.memory_space<hbm>>
      %dma_wait3A_757 = arith.constant 0 : i32
      %dma_wait3A_758 = tpu.memref_slice %arg5[%add3A, %dma_wait3A_757] : memref<16x16xf32, #tpu.memory_space<hbm>> -> memref<1x16xf32, #tpu.memory_space<hbm>>
      %dma_wait3A_759 = tpu.memref_squeeze %dma_wait3A_758 : memref<1x16xf32, #tpu.memory_space<hbm>> -> memref<16xf32, #tpu.memory_space<hbm>>
      tpu.wait_dma2 semaphore(%run_scoped3A : memref<!tpu.dma_semaphore, #tpu.memory_space<semaphore_mem>>) src(%arg9 : memref<16xf32, #tpu.memory_space<vmem>>) dst(%dma_wait3A_759 : memref<16xf32, #tpu.memory_space<hbm>>)
      tpu.yield
    }) : () -> ()
    return
  }
}

</mosaic_0001>

<sc_bundles>
// kernel: kernel.3.cloned.1.call-start
scs
__scs_entry_jumppad:
0x0: {  	(pc) =	sbr.rel $0x88, $3  }
0x1: {  	(tag) =	ssettag $0x0;
	lr =	simm.s32 $0x1  }
0x2: {  	[smem:$0x3F9E] =	sst lr;
	_ =	strace $0xD0000000  }
0x3: {  	_ = 	snop  }
0x4: {  	_ = 	snop  }
0x5: {  	_ = 	snop  }
0x6: {  	_ = 	snop  }
0x7: {  	_ = 	snop  }
__scs_overlays_trampoline_lowered:
0x8: {  	[smem:$0x3FAD] =	sst s0  }
0x9: {  	[smem:$0x3FAE] =	sst s1  }
0xa: {  	[smem:$0x3FAF] =	sst s2  }
0xb: {  	[smem:$0x3FB0] =	sst s3  }
0xc: {  	[smem:$0x3FB1] =	sst s4  }
0xd: {  	[smem:$0x3FB2] =	sst s5  }
0xe: {  	[smem:$0x3FB3] =	sst s6  }
0xf: {  	[smem:$0x3FB4] =	sst s7  }
0x10: {  	[smem:$0x3FB5] =	sst s8  }
0x11: {  	[smem:$0x3FB6] =	sst s9;
	s0 =	simm.s32 @!p0 $0x0  }
0x12: {  	s1 =	sld [smem:$0x3F9C];
	s0 =	simm.s32 @p0 $0x1  }
0x13: {  	[smem:$0x3FB7] =	sst s0;
	s0 =	simm.s32 @!p1 $0x0  }
0x14: {  	s2 =	sld [smem:$0x3F9B];
	s0 =	simm.s32 @p1 $0x1  }
0x15: {  	[smem:$0x3FB8] =	sst s0;
	s0 =	simm.s32 @!p2 $0x0  }
0x16: {  	s3 =	sld [smem:$0x3FDB];
	s0 =	simm.s32 @p2 $0x1  }
0x17: {  	s4 =	simm.s32 $0x1BF5;
	[smem:$0x3FBA] =	sst s0  }
0x18: {  	s0 =	sld [smem:$0x3F9D];
	_ =	swait.ge [sflag:s4], $0x0  }
0x19: {  	s7 =	sld [smem:$0x3F9E]  }
0x1a: {  	s8 =	sadd.s32 $0xFFFFE003, lr  }
0x1b: {  	s9 =	sadd.s32 $0xFFFFFEF7, lr;
	s5 =	simm.s32 $0xFFFFFFFF;
	p2 =	slt.u32 s8, $0xFFFFF086  }
0x1c: {  	p1 =	slt.u32 s9, $0xF7A;
	s5 =	simm.s32 @!p2 $0x0  }
0x1d: {  	s5 =	simm.s32 @p1 $0x1;
	p0 =	seq.s32 s7, s2  }
0x1e: {  	s7 =	smul.u32 @!p0 $0xF7A, s2;
	p2 =	seq.s32 @!p0 s5, $0x0  }
0x1f: {  	s9 =	smul.u32 $0xF7A, s1;
	s8 =	simm.s32 @!p0 $0x1BF5;
	p2 =	por !p2, p0  }
0x20: {  	[sflag:s8] =	ssyncset.s32 @!p0 $0xFFFFF086;
	s6 =	sadd.s32 @!p0 s3, s7;
	s7 =	simm.s32 @!p0 $0x108  }
0x21: {  	s3 =	sadd.s32 s3, s9;
	s6 =	sadd.s32 @!p0 $0x88, s6;
	s7 =	simm.s32 @p2 $0x1082  }
0x22: {  	[simem:s7], [sflag:s8] =	dma.local @!p0 [hbm:s6], $0xF7A  }
0x23: {  	s9 =	sor.u32 $0xD0000000, s2;
	s6 =	simm.s32 $0x108;
	_ =	swait.ge @!p0 [sflag:s8], $0x0  }
0x24: {  	s3 =	sadd.s32 $0x88, s3;
	s6 =	simm.s32 @!p1 $0x1082;
	[sflag:s4] =	ssyncset.s32 $0xFFFFF086  }
0x25: {  	[simem:s6], [sflag:s4] =	dma.local [hbm:s3], $0xF7A  }
0x26: {  	[smem:$0x3F9E] =	sst s1;
	(tag) =	ssettag s2;
	_ =	strace s9  }
0x27: {  	s1 =	sld [smem:$0x3FAE]  }
0x28: {  	s2 =	sld [smem:$0x3FAF]  }
0x29: {  	s4 =	sld [smem:$0x3FB1]  }
0x2a: {  	p0 =	seq.s32 s5, $0x0;
	s5 =	sld [smem:$0x3FB2]  }
0x2b: {  	s6 =	sld [smem:$0x3FB3]  }
0x2c: {  	s7 =	sld [smem:$0x3FB4]  }
0x2d: {  	s3 =	simm.s32 $0x108;
	s8 =	sld [smem:$0x3FB5]  }
0x2e: {  	s3 =	simm.s32 @!p0 $0x1082;
	s9 =	sld [smem:$0x3FB6]  }
0x2f: {  	lr =	sadd.s32 s0, s3;
	s0 =	sld [smem:$0x3FAD]  }
0x30: {  	s3 =	sld [smem:$0x3FB0]  }
0x31: {  	[smem:$0x3FB9] =	sst s10  }
0x32: {  	s10 =	sld [smem:$0x3FB7];
	_ =	sdelay $0x3  }
0x33: {  	p0 =	seq.s32 s10, $0x1;
	s10 =	sld [smem:$0x3FB9];
	_ =	sdelay $0x3  }
0x34: {  	[smem:$0x3FB9] =	sst s10  }
0x35: {  	s10 =	sld [smem:$0x3FB8];
	_ =	sdelay $0x3  }
0x36: {  	p1 =	seq.s32 s10, $0x1;
	s10 =	sld [smem:$0x3FB9];
	_ =	sdelay $0x3  }
0x37: {  	[smem:$0x3FB9] =	sst s10  }
0x38: {  	s10 =	sld [smem:$0x3FBA]  }
0x39: {  	_ = 	snop;
	(pc) =	sbr.ind lr, $3  }
0x3a: {  	_ = 	snop  }
0x3b: {  	_ = 	snop  }
0x3c: {  	p2 =	seq.s32 s10, $0x1;
	s10 =	sld [smem:$0x3FB9]  }
0x3d: {  	_ =	shalt  }
0x3e: {  	_ =	shalt  }
0x3f: {  	_ =	shalt  }
0x40: {  	_ =	shalt  }
0x41: {  	_ =	shalt  }
0x42: {  	_ =	shalt  }
0x43: {  	_ =	shalt  }
0x44: {  	_ =	shalt  }
0x45: {  	_ =	shalt  }
0x46: {  	_ =	shalt  }
0x47: {  	_ =	shalt  }
0x48: {  	_ =	shalt  }
0x49: {  	_ =	shalt  }
0x4a: {  	_ =	shalt  }
0x4b: {  	_ =	shalt  }
0x4c: {  	_ =	shalt  }
0x4d: {  	_ =	shalt  }
0x4e: {  	_ =	shalt  }
0x4f: {  	_ =	shalt  }
0x50: {  	_ =	shalt  }
0x51: {  	_ =	shalt  }
0x52: {  	_ =	shalt  }
0x53: {  	_ =	shalt  }
0x54: {  	_ =	shalt  }
0x55: {  	_ =	shalt  }
0x56: {  	_ =	shalt  }
0x57: {  	_ =	shalt  }
0x58: {  	_ =	shalt  }
0x59: {  	_ =	shalt  }
0x5a: {  	_ =	shalt  }
0x5b: {  	_ =	shalt  }
0x5c: {  	_ =	shalt  }
0x5d: {  	_ =	shalt  }
0x5e: {  	_ =	shalt  }
0x5f: {  	_ =	shalt  }
0x60: {  	_ =	shalt  }
0x61: {  	_ =	shalt  }
0x62: {  	_ =	shalt  }
0x63: {  	_ =	shalt  }
0x64: {  	_ =	shalt  }
0x65: {  	_ =	shalt  }
0x66: {  	_ =	shalt  }
0x67: {  	_ =	shalt  }
0x68: {  	_ =	shalt  }
0x69: {  	_ =	shalt  }
0x6a: {  	_ =	shalt  }
0x6b: {  	_ =	shalt  }
0x6c: {  	_ =	shalt  }
0x6d: {  	_ =	shalt  }
0x6e: {  	_ =	shalt  }
0x6f: {  	_ =	shalt  }
0x70: {  	_ =	shalt  }
0x71: {  	_ =	shalt  }
0x72: {  	_ =	shalt  }
0x73: {  	_ =	shalt  }
0x74: {  	_ =	shalt  }
0x75: {  	_ =	shalt  }
0x76: {  	_ =	shalt  }
0x77: {  	_ =	shalt  }
0x78: {  	_ =	shalt  }
0x79: {  	_ =	shalt  }
0x7a: {  	_ =	shalt  }
0x7b: {  	_ =	shalt  }
0x7c: {  	_ =	shalt  }
0x7d: {  	_ =	shalt  }
0x7e: {  	_ =	shalt  }
0x7f: {  	_ =	shalt  }
0x80: {  	_ =	shalt  }
0x81: {  	_ =	shalt  }
0x82: {  	_ =	shalt  }
0x83: {  	_ =	shalt  }
0x84: {  	_ =	shalt  }
0x85: {  	_ =	shalt  }
0x86: {  	_ =	shalt  }
0x87: {  	_ =	shalt  }
.Lfunc_end0:
.L_simem_size_0:
called_computation_lowered:
.L_overlay_start_0:
0x88: {  	s0 =	sld [smem:$0x3FD9]  }
0x89: {  	s1 =	sld [smem:$0x3FFE];
	_ =	sdelay $0x3  }
0x8a: {  	s0 =	sadd.s32 s1, s0  }
0x8b: {  	[smem:$0x3FC5] =	sst s0  }
0x8c: {  	_ = 	snop  }
0x8d: {  	(tm) =	ssettm $0x1  }
0x8e: {  	s15 =	sld [smem:$0x3FFB];
	_ =	sdelay $0x3  }
0x8f: {  	_ =	strace s15  }
0x90: {  	s0 =	sld [smem:$0x3FFC];
	_ =	sdelay $0x3  }
0x91: {  	_ =	strace s0  }
0x92: {  	s0 =	sld [smem:$0x3FFD];
	_ =	sdelay $0x3  }
0x93: {  	_ =	strace s0  }
0x94: {  	_ =	strace $0x8FFFFFFF  }
0x95: {  	s16 =	sld [smem:$0x3FDB];
	_ =	sdelay $0x1  }
0x96: {  	s17 =	simm.s32 $_scs_section_size  }
0x97: {  	s2 =	simm.s32 $_size__tile_overlayer_lowered;
	s3 =	simm.s32 $_tile_overlayer_lowered  }
0x98: {  	s20 =	simm.s32 $0x1BFF;
	s19 =	sshll.u32 s3, $0x1;
	s0 =	sadd.s32 s17, s16  }
0x99: {  	s4 =	simm.s32 $0x0;
	s18 =	sshll.u32 s2, $0x1;
	s2 =	sadd.s32 s19, s0  }
0x9a: {  	[timem:s4], [sflag:s20] =	dma.local [hbm:s2], s18  }
0x9b: {  	_ =	swait.ge [sflag:s20], s18  }
0x9c: {  	s1 =	ssub.s32 $0x0, s18;
	[sflag:s20] =	ssyncset.done $0x0  }
0x9d: {  	[sflag:s20] =	ssyncadd.s32 s1;
	_ =	sdelay $0x1  }
0x9e: {  	s21 =	simm.s32 $0x1B8B  }
0x9f: {  	_ =	swait.ge [sflag:s21], $0x1  }
0xa0: {  	[sflag:s21] =	ssyncset.done $0x0  }
0xa1: {  	s23 =	simm.s32 $0x1B8E;
	s22 =	sld [smem:$0x3FFE];
	[sflag:s21] =	ssyncadd.s32 $0xFFFFFFFF  }
0xa2: {  	s24 =	simm.s32 $execute0_lowered;
	[smem:$0x3FD2] =	sst s23  }
0xa3: {  	s2 =	sshll.u32 s24, $0x1;
	_ =	strace $0x80000046;
	[dreg:$0x1] =	wrdreg $0xFFFFFFFF  }
0xa4: {  	s25 =	simm.s32 $_size_execute0_lowered;
	s0 =	sadd.s32 s0, s2;
	[dreg:$0x0] =	wrdreg $0x0  }
0xa5: {  	s2 =	sshll.u32 s25, $0x1;
	[dreg:$0x2] =	wrdreg s0  }
0xa6: {  	[dreg:$0x3] =	wrdreg s2  }
0xa7: {  	[dreg:$0x4] =	wrdreg $0xC0  }
0xa8: {  	_ =	task [dreg:s4], $0x5FFFF  }
0xa9: {  	[dreg:$0x1] =	wrdreg $0xFFFFFFFF  }
0xaa: {  	[dreg:$0x0] =	wrdreg $0x60  }
0xab: {  	[dreg:$0x2] =	wrdreg s22  }
0xac: {  	[dreg:$0x3] =	wrdreg $0x9  }
0xad: {  	_ =	task.clear_ibuf [dreg:s4], $0x4FFFF;
	_ =	strace $0x90000046  }
0xae: {  	s26 =	simm.s32 $0x9;
	_ =	strace $0x80000048  }
0xaf: {  	_ =	swait.ge [sflag:s26], $0x1  }
0xb0: {  	[sflag:s26] =	ssyncadd.s32 $0xFFFFFFFF  }
0xb1: {  	_ =	strace $0x90000048  }
0xb2: {  	_ =	sfence  }
0xb3: {  	s28 =	sld [smem:$0x0];
	_ =	sdelay $0x1  }
0xb4: {  	s29 =	srdreg.scid  }
0xb5: {  	s30 =	sshll.u32 s29, $0xD;
	s31 =	sshrl.u32 s29, $0x2  }
0xb6: {  	s1 =	sand.u32 $0x1, s29;
	s2 =	sand.u32 $0x4000, s30;
	s0 =	sadd.s32 s31, s28  }
0xb7: {  	s1 =	sor.u32 s2, s1;
	s0 =	sshll.u32 s0, $0x11  }
0xb8: {  	s0 =	sor.u32 s0, s1  }
0xb9: {  	s0 =	sadd.s32 $0x8F2B, s0  }
0xba: {  	[sflag:s0] =	ssyncadd.remote.s32 $0x1  }
0xbb: {  	_ =	sfence.sel $0xFFFF  }
0xbc: {  	[dreg:$0x0] =	wrdreg $0xFFFFFFFF;
	(pc) =	sbr.abs _section_cstart, $3  }
0xbd: {  	[dreg:$0x1] =	wrdreg $0xFFFFFFFF  }
0xbe: {  	_ =	task.clear_ibuf [dreg:s4], $0x2FFFF;
	_ =	strace $0x9FFFFFFF  }
0xbf: {  	(tm) =	ssettm $0x7FFFFFFF  }
tec
execute0_lowered:
.L_overlay_start_1:
0x0: {  	(tag) =	ssettag $0x1  }
0x1: {  	s0 =	stileid.u32  }
0x2: {  	s3 =	rddreg [dreg:$0x0];
	s4 =	smul.u32 $0x50, s0  }
0x3: {  	s1 =	rddreg [dreg:$0x1];
	s2 =	simm.s32 $0x0  }
0x4: {  	[smem:$0x7FF] =	sst s2;
	s5 =	sshll.u32 s0, $0x4;
	s4 =	sadd.s32 s4, s3  }
0x5: {  	_ =	strace $0x80000047;
	s3 =	sadd.s32 s5, s3;
	s4 =	sadd.s32 $0x400, s4  }
0x6: {  	[tilespmem:s2], [sflag:$0x1] =	stream.linear.gather [hbm4b:s4+s2], $0x280, $0x38;
	[tilespmem:$0x400] =	vst v63  }
0x7: {  	s25 =	simm.s32 $0x280;
	s24 =	sadd.s32 $0xA00, s3  }
0x8: {  	[tilespmem:s25], [sflag:$0x1] =	stream.linear.gather [hbm4b:s24+s2], $0x80, $0x38;
	[tilespmem:$0x400] =	vst v63  }
0x9: {  	s28 =	simm.s32 $0x300;
	s29 =	simm.s32 $0x1;
	s26 =	sadd.s32 $0xC00, s3  }
0xa: {  	[tilespmem:s28], [sflag:$0x1] =	stream.linear.gather [hbm4b:s26+s2], $0x80, $0x38;
	[tilespmem:$0x400] =	vst v63  }
0xb: {  	_ =	swait.ge [sflag:s29], $0x280  }
0xc: {  	[sflag:s29] =	ssyncset.done $0x0  }
0xd: {  	[sflag:s29] =	ssyncadd.s32 $0xFFFFFD80  }
0xe: {  	_ =	swait.ge [sflag:s29], $0x80  }
0xf: {  	v0 =	vlaneseq.u32;
	[sflag:s29] =	ssyncset.done $0x0  }
0x10: {  	v0 =	vmul.u32 $0x5, v0;
	[sflag:s29] =	ssyncadd.s32 $0xFFFFFF80  }
0x11: {  	_ =	swait.ge [sflag:s29], $0x80  }
0x12: {  	v1 =	vadd.s32 $0x1, v0;
	[sflag:s29] =	ssyncset.done $0x0  }
0x13: {  	v5 =	vadd.s32 $0x2, v0;
	[sflag:s29] =	ssyncadd.s32 $0xFFFFFF80  }
0x14: {  	v6 =	vadd.s32 $0x3, v0;
	v2 =	vld [tilespmem:$0x280]  }
0x15: {  	v10 =	vadd.s32 $0x4, v0;
	v3 =	vld [tilespmem:$0x300]  }
0x16: {  	v4 =	vld.idx.msk [tilespmem:v0+s2+$0x0], $0xffff  }
0x17: {  	v7 =	vld.idx.msk [tilespmem:v1+s2+$0x0], $0xffff  }
0x18: {  	v31 =	vadd.s32 $0x51, v0;
	v5 =	vld.idx.msk [tilespmem:v5+s2+$0x0], $0xffff  }
0x19: {  	v34 =	vadd.s32 $0x52, v0;
	v6 =	vld.idx.msk [tilespmem:v6+s2+$0x0], $0xffff  }
0x1a: {  	v40 =	vadd.s32 $0x54, v0;
	v30 =	vld.idx.msk [tilespmem:v10+s2+$0x0], $0xffff  }
0x1b: {  	v13 =	vld [tilespmem:$0x290]  }
0x1c: {  	v14 =	vld [tilespmem:$0x310]  }
0x1d: {  	v24 =	vadd.s32 $0xF3, v0;
	v36 =	vld.idx.msk [tilespmem:v31+s2+$0x0], $0xffff  }
0x1e: {  	v11 =	vadd.s32 $0x50, v0;
	v37 =	vadd.s32 $0x53, v0;
	v47 =	vadd.s32 $0xA0, v0;
	v39 =	vld.idx.msk [tilespmem:v34+s2+$0x0], $0xffff  }
0x1f: {  	v49 =	vadd.s32 $0xA1, v0;
	v51 =	vadd.s32 $0xA2, v0;
	v15 =	vadd.s32 $0xF2, v0;
	v46 =	vld.idx.msk [tilespmem:v40+s2+$0x0], $0xffff  }
0x20: {  	v57 =	vadd.s32 $0xA3, v0;
	v60 =	vadd.s32 $0xA4, v0;
	v63 =	vadd.s32 $0xF0, v0;
	v50 =	vld [tilespmem:$0x2A0]  }
0x21: {  	v21 =	vadd.s32 $0xF1, v0;
	v1 =	vimm.f32 $1.000000000e+00;
	v53 =	vld [tilespmem:$0x320];
	v34 =	vadd.s32 $0x141, v0  }
0x22: {  	v31 =	vld.idx.msk [tilespmem:v24+s2+$0x0], $0xffff;
	v40 =	vadd.s32 $0x142, v0;
	v24 =	vadd.s32 $0x1E1, v0;
	vm0 =	vle.f32 v2, $0.0e+00  }
0x23: {  	v19 =	vld [tilespmem:$0x2B0];
	vm6 =	veq.s32 v3, $0x0;
	v4 =	vsub.f32 v4, v2;
	vm7 =	veq.s32 v3, $0x1  }
0x24: {  	v28 =	vld.idx.msk [tilespmem:v15+s2+$0x0], $0xffff;
	v7 =	vsub.f32 v7, v2;
	vm8 =	veq.s32 v3, $0x2;
	v5 =	vsub.f32 v5, v2  }
0x25: {  	vm9 =	veq.s32 v3, $0x3;
	v6 =	vsub.f32 v6, v2;
	vm10 =	veq.s32 v3, $0x4  }
0x26: {  	vm1 =	vle.f32 v13, $0.0e+00;
	v2 =	vsub.f32 v30, v2;
	vm11 =	veq.s32 v14, $0x0  }
0x27: {  	vm12 =	veq.s32 v14, $0x1;
	vm13 =	veq.s32 v14, $0x2;
	v45 =	vsub.f32 v39, v13  }
0x28: {  	vm14 =	veq.s32 v14, $0x3;
	vm15 =	veq.s32 v14, $0x4;
	v54 =	vsub.f32 v46, v13  }
0x29: {  	vm4 =	vle.f32 v50, $0.0e+00;
	vm5 =	veq.s32 v53, $0x0;
	v10 =	vsub.f32 v28, v19  }
0x2a: {  	v8 =	vsel vm0, $0xBF800000, v1;
	v38 =	vsel vm1, $0xBF800000, v1;
	v61 =	vsel vm4, $0xBF800000, v1  }
0x2b: {  	v9 =	vsel vm6, $0xBF800000, v8;
	v29 =	vsel vm7, $0xBF800000, v8;
	v12 =	vsel vm8, $0xBF800000, v8  }
0x2c: {  	v32 =	vsel vm9, $0xBF800000, v8;
	v8 =	vsel vm10, $0xBF800000, v8;
	v4 =	vmul.f32 v9, v4  }
0x2d: {  	v41 =	vsel vm11, $0xBF800000, v38;
	v42 =	vsel vm12, $0xBF800000, v38;
	v48 =	vsel vm13, $0xBF800000, v38  }
0x2e: {  	v20 =	vld [tilespmem:$0x330];
	v52 =	vsel vm14, $0xBF800000, v38;
	v7 =	vmul.f32 v7, v29;
	v4 =	vmax.f32 v4, $0.0e+00  }
0x2f: {  	v33 =	vld.idx.msk [tilespmem:v11+s2+$0x0], $0xffff;
	v56 =	vsel vm15, $0xBF800000, v38;
	v62 =	vsel vm5, $0xBF800000, v61;
	v4 =	vadd.f32 $0.0e+00, v4  }
0x30: {  	vm6 =	veq.s32 v53, $0x1;
	v5 =	vmul.f32 v5, v12;
	v7 =	vmax.f32 v7, $0.0e+00  }
0x31: {  	vm7 =	veq.s32 v53, $0x2;
	vm8 =	veq.s32 v53, $0x3;
	v4 =	vadd.f32 v7, v4  }
0x32: {  	vm9 =	veq.s32 v53, $0x4;
	v6 =	vmul.f32 v6, v32;
	v5 =	vmax.f32 v5, $0.0e+00  }
0x33: {  	vm10 =	vle.f32 v19, $0.0e+00;
	vm11 =	veq.s32 v20, $0x0;
	v4 =	vadd.f32 v5, v4  }
0x34: {  	v2 =	vmul.f32 v2, v8;
	v35 =	vmax.f32 v6, $0.0e+00;
	v7 =	vsub.f32 v33, v13  }
0x35: {  	v3 =	vld.idx.msk [tilespmem:v37+s2+$0x0], $0xffff;
	vm12 =	veq.s32 v20, $0x1;
	vm13 =	veq.s32 v20, $0x2;
	v4 =	vadd.f32 v35, v4  }
0x36: {  	v6 =	vsub.f32 v36, v13;
	v2 =	vmax.f32 v2, $0.0e+00;
	v5 =	vmul.f32 v41, v7  }
0x37: {  	vm14 =	veq.s32 v20, $0x3;
	vm15 =	veq.s32 v20, $0x4;
	v2 =	vadd.f32 v2, v4  }
0x38: {  	v53 =	vadd.s32 $0x190, v0;
	v44 =	vmul.f32 v6, v42;
	v43 =	vmax.f32 v5, $0.0e+00  }
0x39: {  	v27 =	vld.idx.msk [tilespmem:v21+s2+$0x0], $0xffff;
	v16 =	vsel vm6, $0xBF800000, v61;
	v17 =	vsel vm7, $0xBF800000, v61;
	v2 =	vadd.f32 v43, v2  }
0x3a: {  	v55 =	vld.idx.msk [tilespmem:v47+s2+$0x0], $0xffff;
	v3 =	vsub.f32 v3, v13;
	v5 =	vmax.f32 v44, $0.0e+00;
	v4 =	vmul.f32 v45, v48  }
0x3b: {  	v37 =	vld [tilespmem:$0x2C0];
	v22 =	vsel vm8, $0xBF800000, v61;
	v25 =	vsel vm9, $0xBF800000, v61;
	v2 =	vadd.f32 v5, v2  }
0x3c: {  	v58 =	vld.idx.msk [tilespmem:v49+s2+$0x0], $0xffff;
	v26 =	vsel vm10, $0xBF800000, v1;
	v3 =	vmul.f32 v3, v52;
	v4 =	vmax.f32 v4, $0.0e+00  }
0x3d: {  	v38 =	vld [tilespmem:$0x340];
	v29 =	vadd.s32 $0xF4, v0;
	v32 =	vadd.s32 $0x140, v0;
	v2 =	vadd.f32 v4, v2  }
0x3e: {  	v59 =	vld.idx.msk [tilespmem:v51+s2+$0x0], $0xffff;
	v9 =	vsub.f32 v27, v19;
	v3 =	vmax.f32 v3, $0.0e+00;
	v4 =	vmul.f32 v54, v56  }
0x3f: {  	v30 =	vsel vm11, $0xBF800000, v26;
	v7 =	vsub.f32 v55, v50;
	v2 =	vadd.f32 v3, v2  }
0x40: {  	v8 =	vld.idx.msk [tilespmem:v57+s2+$0x0], $0xffff;
	v39 =	vsel vm14, $0xBF800000, v26;
	vm4 =	vle.f32 v37, $0.0e+00;
	v4 =	vmax.f32 v4, $0.0e+00  }
0x41: {  	v5 =	vsub.f32 v58, v50;
	v2 =	vadd.f32 v4, v2;
	v4 =	vmul.f32 v62, v7  }
0x42: {  	v36 =	vsel vm13, $0xBF800000, v26;
	v46 =	vsel vm4, $0xBF800000, v1;
	v6 =	vld.idx.msk [tilespmem:v60+s2+$0x0], $0xffff;
	vm5 =	veq.s32 v38, $0x0  }
0x43: {  	v18 =	vmul.f32 v5, v16;
	v3 =	vsub.f32 v59, v50;
	v4 =	vmax.f32 v4, $0.0e+00  }
0x44: {  	vm6 =	veq.s32 v38, $0x1;
	vm7 =	veq.s32 v38, $0x2;
	v7 =	vld.idx.msk [tilespmem:v63+s2+$0x0], $0xffff;
	v2 =	vadd.f32 v4, v2  }
0x45: {  	v8 =	vsub.f32 v8, v50;
	v3 =	vmul.f32 v3, v17;
	v4 =	vmax.f32 v18, $0.0e+00  }
0x46: {  	v57 =	vld [tilespmem:$0x2D0];
	vm8 =	veq.s32 v38, $0x3;
	vm9 =	veq.s32 v38, $0x4;
	v2 =	vadd.f32 v4, v2  }
0x47: {  	v27 =	vld [tilespmem:$0x2E0];
	v23 =	vmul.f32 v8, v22;
	v6 =	vsub.f32 v6, v50;
	v3 =	vmax.f32 v3, $0.0e+00  }
0x48: {  	v33 =	vsel vm12, $0xBF800000, v26;
	v49 =	vsel vm5, $0xBF800000, v46;
	v2 =	vadd.f32 v3, v2  }
0x49: {  	v4 =	vmax.f32 v23, $0.0e+00;
	v7 =	vsub.f32 v7, v19;
	v3 =	vmul.f32 v6, v25  }
0x4a: {  	v52 =	vsel vm6, $0xBF800000, v46;
	v61 =	vsel vm8, $0xBF800000, v46;
	v2 =	vadd.f32 v4, v2  }
0x4b: {  	v14 =	vsel vm9, $0xBF800000, v46;
	v3 =	vmax.f32 v3, $0.0e+00;
	v4 =	vmul.f32 v30, v7  }
0x4c: {  	v12 =	vld.idx.msk [tilespmem:v29+s2+$0x0], $0xffff;
	vm10 =	vle.f32 v57, $0.0e+00;
	vm4 =	vle.f32 v27, $0.0e+00;
	v2 =	vadd.f32 v3, v2  }
0x4d: {  	v60 =	vld [tilespmem:$0x350];
	v8 =	vmul.f32 v10, v36;
	v35 =	vmul.f32 v9, v33;
	v4 =	vmax.f32 v4, $0.0e+00  }
0x4e: {  	v22 =	vadd.s32 $0x1E0, v0;
	v36 =	vsel vm4, $0xBF800000, v1;
	v3 =	vld.idx.msk [tilespmem:v32+s2+$0x0], $0xffff;
	v2 =	vadd.f32 v4, v2  }
0x4f: {  	v43 =	vadd.s32 $0x143, v0;
	v7 =	vsub.f32 v31, v19;
	v4 =	vmax.f32 v35, $0.0e+00  }
0x50: {  	v42 =	vld.idx.msk [tilespmem:v34+s2+$0x0], $0xffff;
	v41 =	vmax.f32 v8, $0.0e+00;
	v44 =	vsel vm15, $0xBF800000, v26;
	v2 =	vadd.f32 v4, v2  }
0x51: {  	v47 =	vld.idx.msk [tilespmem:v40+s2+$0x0], $0xffff;
	v48 =	vadd.s32 $0x144, v0;
	v5 =	vsub.f32 v12, v19;
	v7 =	vmul.f32 v7, v39  }
0x52: {  	vm11 =	veq.s32 v60, $0x0;
	vm12 =	veq.s32 v60, $0x1;
	v2 =	vadd.f32 v41, v2  }
0x53: {  	v45 =	vmax.f32 v7, $0.0e+00;
	v4 =	vmul.f32 v5, v44;
	v3 =	vsub.f32 v3, v37  }
0x54: {  	vm13 =	veq.s32 v60, $0x2;
	v58 =	vadd.s32 $0x191, v0;
	v51 =	vld.idx.msk [tilespmem:v43+s2+$0x0], $0xffff;
	v2 =	vadd.f32 v45, v2  }
0x55: {  	v50 =	vsub.f32 v42, v37;
	v4 =	vmax.f32 v4, $0.0e+00;
	v3 =	vmul.f32 v49, v3  }
0x56: {  	vm14 =	veq.s32 v60, $0x3;
	v55 =	vld.idx.msk [tilespmem:v48+s2+$0x0], $0xffff;
	v54 =	vsub.f32 v47, v37;
	v2 =	vadd.f32 v4, v2  }
0x57: {  	v62 =	vadd.s32 $0x192, v0;
	v3 =	vmax.f32 v3, $0.0e+00;
	v4 =	vmul.f32 v50, v52  }
0x58: {  	v11 =	vld.idx.msk [tilespmem:v53+s2+$0x0], $0xffff;
	v56 =	vsel vm7, $0xBF800000, v46;
	v63 =	vadd.s32 $0x193, v0;
	v2 =	vadd.f32 v3, v2  }
0x59: {  	v29 =	vld [tilespmem:$0x360];
	v59 =	vsub.f32 v51, v37;
	v4 =	vmax.f32 v4, $0.0e+00;
	v3 =	vmul.f32 v54, v56  }
0x5a: {  	vm15 =	veq.s32 v60, $0x4;
	v33 =	vadd.s32 $0x1E3, v0;
	v15 =	vld.idx.msk [tilespmem:v58+s2+$0x0], $0xffff;
	v2 =	vadd.f32 v4, v2  }
0x5b: {  	v6 =	vsub.f32 v55, v37;
	v3 =	vmax.f32 v3, $0.0e+00;
	v4 =	vmul.f32 v59, v61  }
0x5c: {  	v16 =	vsel vm10, $0xBF800000, v1;
	v19 =	vadd.s32 $0x194, v0;
	v7 =	vld.idx.msk [tilespmem:v62+s2+$0x0], $0xffff;
	v2 =	vadd.f32 v3, v2  }
0x5d: {  	v17 =	vsub.f32 v11, v57;
	v4 =	vmax.f32 v4, $0.0e+00;
	v3 =	vmul.f32 v6, v14  }
0x5e: {  	vm5 =	veq.s32 v29, $0x0;
	v18 =	vsel vm11, $0xBF800000, v16;
	v9 =	vld.idx.msk [tilespmem:v63+s2+$0x0], $0xffff;
	v2 =	vadd.f32 v4, v2  }
0x5f: {  	v20 =	vsub.f32 v15, v57;
	v3 =	vmax.f32 v3, $0.0e+00;
	v4 =	vmul.f32 v18, v17  }
0x60: {  	vm6 =	veq.s32 v29, $0x1;
	v21 =	vsel vm12, $0xBF800000, v16;
	v2 =	vadd.f32 v3, v2  }
0x61: {  	v10 =	vld.idx.msk [tilespmem:v19+s2+$0x0], $0xffff;
	v23 =	vsub.f32 v7, v57;
	v4 =	vmax.f32 v4, $0.0e+00;
	v3 =	vmul.f32 v20, v21  }
0x62: {  	v25 =	vsel vm13, $0xBF800000, v16;
	v31 =	vadd.s32 $0x1E2, v0;
	v2 =	vadd.f32 v4, v2  }
0x63: {  	v9 =	vsub.f32 v9, v57;
	v5 =	vmul.f32 v23, v25;
	v3 =	vmax.f32 v3, $0.0e+00;
	v4 =	vld.idx.msk [tilespmem:v22+s2+$0x0], $0xffff  }
0x64: {  	vm8 =	veq.s32 v29, $0x3;
	v26 =	vsel vm14, $0xBF800000, v16;
	v2 =	vadd.f32 v3, v2  }
0x65: {  	vm9 =	veq.s32 v29, $0x4;
	v30 =	vld.idx.msk [tilespmem:v24+s2+$0x0], $0xffff;
	v28 =	vmul.f32 v9, v26;
	v5 =	vmax.f32 v5, $0.0e+00  }
0x66: {  	v35 =	vadd.s32 $0x1E4, v0;
	v32 =	vsub.f32 v10, v57;
	v2 =	vadd.f32 v5, v2  }
0x67: {  	v38 =	vsel vm6, $0xBF800000, v36;
	v34 =	vsel vm15, $0xBF800000, v16;
	v7 =	vld.idx.msk [tilespmem:v31+s2+$0x0], $0xffff;
	v3 =	vmax.f32 v28, $0.0e+00  }
0x68: {  	v4 =	vsub.f32 v4, v27;
	v2 =	vadd.f32 v3, v2;
	v3 =	vmul.f32 v32, v34  }
0x69: {  	v8 =	vsel vm9, $0xBF800000, v36;
	v37 =	vsel vm5, $0xBF800000, v36;
	v41 =	vadd.s32 $0x230, v0;
	v10 =	vld.idx.msk [tilespmem:v33+s2+$0x0], $0xffff  }
0x6a: {  	v5 =	vsub.f32 v30, v27;
	v4 =	vmul.f32 v37, v4;
	v3 =	vmax.f32 v3, $0.0e+00  }
0x6b: {  	vm7 =	veq.s32 v29, $0x2;
	v43 =	vadd.s32 $0x231, v0;
	v40 =	vld.idx.msk [tilespmem:v35+s2+$0x0], $0xffff;
	v2 =	vadd.f32 v3, v2  }
0x6c: {  	v48 =	vld [tilespmem:$0x370];
	v7 =	vsub.f32 v7, v27;
	v39 =	vmul.f32 v5, v38;
	v4 =	vmax.f32 v4, $0.0e+00  }
0x6d: {  	v42 =	vsel vm7, $0xBF800000, v36;
	v44 =	vld [tilespmem:$0x2F0];
	v45 =	vadd.s32 $0x232, v0;
	v2 =	vadd.f32 v4, v2  }
0x6e: {  	v10 =	vsub.f32 v10, v27;
	v46 =	vmul.f32 v7, v42;
	v6 =	vld.idx.msk [tilespmem:v41+s2+$0x0], $0xffff;
	v3 =	vmax.f32 v39, $0.0e+00  }
0x6f: {  	v47 =	vsel vm8, $0xBF800000, v36;
	v49 =	vadd.s32 $0x233, v0;
	v2 =	vadd.f32 v3, v2  }
0x70: {  	v51 =	vld.idx.msk [tilespmem:v43+s2+$0x0], $0xffff;
	v5 =	vsub.f32 v40, v27;
	v4 =	vmul.f32 v10, v47;
	v3 =	vmax.f32 v46, $0.0e+00  }
0x71: {  	vm11 =	veq.s32 v48, $0x0;
	v0 =	vadd.s32 $0x234, v0;
	v2 =	vadd.f32 v3, v2  }
0x72: {  	vm10 =	vle.f32 v44, $0.0e+00;
	v52 =	vld.idx.msk [tilespmem:v45+s2+$0x0], $0xffff;
	v50 =	vmul.f32 v5, v8;
	v4 =	vmax.f32 v4, $0.0e+00  }
0x73: {  	v1 =	vsel vm10, $0xBF800000, v1;
	v53 =	vsub.f32 v6, v44;
	v2 =	vadd.f32 v4, v2  }
0x74: {  	vm12 =	veq.s32 v48, $0x1;
	v54 =	vsel vm11, $0xBF800000, v1;
	v55 =	vld.idx.msk [tilespmem:v49+s2+$0x0], $0xffff;
	v3 =	vmax.f32 v50, $0.0e+00  }
0x75: {  	v56 =	vsub.f32 v51, v44;
	v2 =	vadd.f32 v3, v2;
	v3 =	vmul.f32 v54, v53  }
0x76: {  	vm13 =	veq.s32 v48, $0x2;
	v57 =	vsel vm12, $0xBF800000, v1;
	v0 =	vld.idx.msk [tilespmem:v0+s2+$0x0], $0xffff  }
0x77: {  	v8 =	vsub.f32 v52, v44;
	v4 =	vmul.f32 v56, v57;
	v3 =	vmax.f32 v3, $0.0e+00  }
0x78: {  	vm14 =	veq.s32 v48, $0x3;
	v58 =	vsel vm13, $0xBF800000, v1;
	v2 =	vadd.f32 v3, v2  }
0x79: {  	v60 =	vsub.f32 v55, v44;
	v59 =	vmul.f32 v8, v58;
	v4 =	vmax.f32 v4, $0.0e+00  }
0x7a: {  	vm15 =	veq.s32 v48, $0x4;
	v61 =	vsel vm14, $0xBF800000, v1;
	v2 =	vadd.f32 v4, v2  }
0x7b: {  	v0 =	vsub.f32 v0, v44;
	v3 =	vmax.f32 v59, $0.0e+00;
	v4 =	vmul.f32 v60, v61  }
0x7c: {  	v1 =	vsel vm15, $0xBF800000, v1;
	v2 =	vadd.f32 v3, v2  }
0x7d: {  	v0 =	vmul.f32 v0, v1;
	v62 =	vmax.f32 v4, $0.0e+00  }
0x7e: {  	v63 =	vadd.f32 v62, v2  }
0x7f: {  	v0 =	vmax.f32 v0, $0.0e+00  }
0x80: {  	v0 =	vadd.f32 v0, v63;
	_ =	sdelay $0x1  }
0x81: {  	s30 =	simm.s32 $0x380;
	s31 =	simm.s32 $0x2;
	s3 =	sadd.s32 $0xE00, s3;
	[tilespmem:$0x380] =	vst v0  }
0x82: {  	[hbm4b:s3+s2] =	stream.linear.scatter [tilespmem:s30], [sflag:$0x2], $0x80, $0x38;
	[tilespmem:$0x400] =	vst v63  }
0x83: {  	_ =	swait.ge [sflag:s31], $0x80  }
0x84: {  	[sflag:s31] =	ssyncset.done $0x0  }
0x85: {  	[sflag:s31] =	ssyncadd.s32 $0xFFFFFF80  }
0x86: {  	_ =	sfence.sel $0x180000  }
0x87: {  	[bflag:$0x0] =	sbarrier.arrive $0xFFFF  }
0x88: {  	p0 =	sne.s32 s0, $0x0;
	_ =	strace $0x90000047  }
0x89: {  	s0 =	sadd.s32 @!p0 $0x100000, s1;
	[bflag:$0x2] =	sbarrier.arrive $0xFFFF  }
0x8a: {  	[sflag:s0] =	ssyncadd.tile.s32 @!p0 $0x1;
	_ =	shalt  }
.Lfunc_end2:
_tile_overlayer_lowered:
.L_overlay_start_2:
0x8b: {  	(tag) =	ssettag $0x2  }
0x8c: {  	s0 =	rddreg [dreg:$0x0];
	s2 =	stileid.u32  }
0x8d: {  	s1 =	rddreg [dreg:$0x1];
	p0 =	sne.s32 s2, $0x0  }
0x8e: {  	s3 =	rddreg [dreg:$0x2];
	[bflag:$0x3] =	sbarrier.arrive $0xFFFF;
	s2 =	simm.s32 @!p0 $0x1C02  }
0x8f: {  	[timem:s3], [sflag:s2] =	dma.local @!p0 [hbm:s0], s1  }
0x90: {  	s0 =	simm.s32 @!p0 $0x2  }
0x91: {  	_ =	swait.ge @!p0 [sflag:s0], s1  }
0x92: {  	s1 =	ssub.s32 @!p0 $0x0, s1;
	[sflag:s0] =	ssyncset.done @!p0 $0x0  }
0x93: {  	[sflag:s0] =	ssyncadd.s32 @!p0 s1  }
0x94: {  	[bflag:$0x3] =	sbarrier.arrive $0xFFFF  }
0x95: {  	_ =	shalt  }

</sc_bundles>
